<compile_context>
chip_gen: v7x
topology: tpu7x:2x2x1
jax: 0.10.2.dev20260603
libtpu: 0.0.44.dev20260713+nightly
codegen_flags: <defaults>
</compile_context>

<pallas_src>
import functools
import jax
import jax.numpy as jnp
from jax import lax
from jax.experimental import pallas as pl
from jax.experimental.pallas import tpu as pltpu
from jax.experimental.pallas import tpu_sc as plsc

_B = 64
_D = 768
_NPOS, _NNEG, _NNEUT = 9, 8, 7
_V = 100000
_VS = 80
_K = 40

_VT = 1024
_NT = 98
_VPAD = _VT * _NT


def _layer(x, w_ref, b_ref, act):
    y = lax.dot_general(x, w_ref[...], (((1,), (1,)), ((), ())),
                        preferred_element_type=jnp.float32) + b_ref[...]
    return jnp.tanh(y) if act else y


def _mlp_a_body(cat_ref, w1_ref, b1_ref, w2_ref, b2_ref, h_ref):
    h = _layer(cat_ref[...], w1_ref, b1_ref, True)
    h_ref[...] = _layer(h, w2_ref, b2_ref, True)


def _mlp_b_body(h_ref, w3_ref, b3_ref, w4_ref, b4_ref, outn_ref):
    h = _layer(h_ref[...], w3_ref, b3_ref, True)
    mo = _layer(h, w4_ref, b4_ref, False)
    n = jnp.sqrt(jnp.sum(mo * mo, axis=1, keepdims=True))
    outn_ref[...] = mo / jnp.maximum(n, 1e-12)


def _run_mlp(pos, neg, neut, ass, W1, b1, W2, b2, W3, b3, W4, b4):
    def proc(x):
        m = jnp.mean(x, axis=1)
        n = jnp.sqrt(jnp.sum(m * m, axis=1, keepdims=True))
        return m / jnp.maximum(n, 1e-12)

    cat = jnp.concatenate([proc(neg), ass, proc(neut), proc(pos)], axis=1)
    h = pl.pallas_call(
        _mlp_a_body,
        out_shape=jax.ShapeDtypeStruct((_B, 1700), jnp.float32),
    )(cat, W1, b1[None, :], W2, b2[None, :])
    return pl.pallas_call(
        _mlp_b_body,
        out_shape=jax.ShapeDtypeStruct((_B, _D), jnp.float32),
    )(h, W3, b3[None, :], W4, b4[None, :])


def _sims_body(mon_ref, vocab_ref, sims_ref, bm_ref):
    i = pl.program_id(0)
    v = vocab_ref[...]
    ss = jnp.sum(v * v, axis=1, keepdims=True)
    norm = jnp.maximum(jnp.sqrt(ss), 1e-12)
    vn = v / norm
    s = lax.dot_general(mon_ref[...], vn, (((1,), (1,)), ((), ())),
                        preferred_element_type=jnp.float32)
    col = i * _VT + lax.broadcasted_iota(jnp.int32, (_B, _VT), 1)
    s = jnp.where(col < _V, s, -jnp.inf)
    sims_ref[...] = s
    bm_ref[...] = jnp.max(s.reshape(_B, _VT // 128, 128), axis=2)[None]


def _run_sims(mon, vocab):
    return pl.pallas_call(
        _sims_body,
        grid=(_NT,),
        in_specs=[
            pl.BlockSpec((_B, _D), lambda i: (0, 0)),
            pl.BlockSpec((_VT, _D), lambda i: (i, 0)),
        ],
        out_specs=(pl.BlockSpec((_B, _VT), lambda i: (0, i)),
                   pl.BlockSpec((1, _B, _VT // 128), lambda i: (i, 0, 0))),
        out_shape=(jax.ShapeDtypeStruct((_B, _VPAD), jnp.float32),
                   jax.ShapeDtypeStruct((_NT, _B, _VT // 128), jnp.float32)),
    )(mon, vocab)


def _thr_body(bm_ref, thr_ref):
    bm = bm_ref[...]
    ib = lax.bitcast_convert_type(bm, jnp.int32)
    keys = jnp.where(ib < 0, ib ^ jnp.int32(0x7FFFFFFF), ib)

    def sb(_, lh):
        lo, hi = lh
        mid = (lo >> 1) + (hi >> 1) + (lo & hi & 1)
        cnt = jnp.sum((keys >= mid).astype(jnp.int32), axis=1, keepdims=True)
        big = cnt >= _VS
        return jnp.where(big, mid, lo), jnp.where(big, hi, mid)

    lo0 = jnp.full((_B, 1), _KEY_LO, jnp.int32)
    hi0 = jnp.full((_B, 1), _KEY_HI, jnp.int32)
    lo, _hi = lax.fori_loop(0, 32, sb, (lo0, hi0))
    thr = lax.bitcast_convert_type(
        jnp.where(lo < 0, lo ^ jnp.int32(0x7FFFFFFF), lo), jnp.float32)
    thr_ref[...] = jnp.broadcast_to(thr, (_B, 16))


def _run_thr(bm):
    return pl.pallas_call(
        _thr_body,
        out_shape=jax.ShapeDtypeStruct((_B, 16), jnp.float32),
    )(bm)


_CH = 12544
_NCH = _VPAD // _CH
_NVR = _CH // 16
_CAP = 1024
_KEY_LO = -2139095042
_KEY_HI = 2139095041


def _sc_topk_body(sims_hbm, thr_hbm, vocab_hbm, words_hbm,
                  buf, tbuf, candv, candi, oidx, gbuf, sem):
    iota = lax.broadcasted_iota(jnp.int32, (16,), 0)
    wid = lax.axis_index("c") * 16 + lax.axis_index("s")

    def row_body(rr, _):
        row = wid * 2 + rr
        base = row * _VPAD
        pltpu.sync_copy(thr_hbm.at[pl.ds(row * 16, 16)], tbuf)
        t = tbuf[pl.ds(0, 16)]

        def chunk_body(k, c):
            pltpu.sync_copy(sims_hbm.at[pl.ds(base + k * _CH, _CH)], buf)

            def group_body(g, c2):
                vs = [buf[pl.ds(g * 128 + 16 * i, 16)] for i in range(8)]
                m01 = jnp.maximum(vs[0], vs[1])
                m23 = jnp.maximum(vs[2], vs[3])
                m45 = jnp.maximum(vs[4], vs[5])
                m67 = jnp.maximum(vs[6], vs[7])
                m8 = jnp.maximum(jnp.maximum(m01, m23), jnp.maximum(m45, m67))
                nhit = jnp.sum(jnp.where(m8 >= t, 1, 0))

                def slow(c3):
                    for i in range(8):
                        m = vs[i] >= t
                        off = jnp.minimum(c3, _CAP - 16)
                        plsc.store_compressed(candv.at[pl.ds(off, 16)], vs[i],
                                              mask=m)
                        plsc.store_compressed(candi.at[pl.ds(off, 16)],
                                              iota + (k * _CH + g * 128 + 16 * i),
                                              mask=m)
                        c3 = jnp.minimum(c3 + jnp.sum(jnp.where(m, 1, 0)),
                                         jnp.int32(_CAP - 16))
                    return c3
                return lax.cond(nhit > 0, slow, lambda x: x, c2)
            return lax.fori_loop(0, _NVR // 8, group_body, c)

        cf = lax.fori_loop(0, _NCH, chunk_body, jnp.int32(0))

        def oinit(j, _):
            oidx[pl.ds(j * 16, 16)] = iota * 0
            return 0
        lax.fori_loop(0, 6, oinit, 0)
        nvr = (cf + 15) >> 4

        def rank_body(i, _):
            vi = candv[pl.ds(i * 16, 16)]
            ii = candi[pl.ds(i * 16, 16)]
            valid_i = (iota + i * 16) < cf

            def rloop(j, rv):
                js = iota * 0 + j
                a = plsc.load_gather(candv, [js])
                ai = plsc.load_gather(candi, [js])
                beats = (a > vi) | ((a == vi) & (ai < ii))
                return rv + jnp.where(beats, 1, 0)
            rv = lax.fori_loop(0, cf, rloop, jnp.zeros((16,), jnp.int32))
            ok = valid_i & (rv < _VS)
            rv = jnp.where(ok, rv, _VS + iota)
            plsc.store_scatter(oidx, [rv], jnp.where(ok, ii, 0))
            return 0
        lax.fori_loop(0, nvr, rank_body, 0)

        pltpu.async_copy(vocab_hbm.at[oidx], gbuf, sem).wait()
        pltpu.sync_copy(gbuf.at[pl.ds(0, _VS)], words_hbm.at[row])
        return 0

    lax.fori_loop(0, 2, row_body, 0)


def _run_sc_topk(sims, thr, vocab):
    mesh = plsc.VectorSubcoreMesh(core_axis_name="c", subcore_axis_name="s")
    f = pl.kernel(
        _sc_topk_body,
        out_type=jax.ShapeDtypeStruct((_B, _VS, _D), jnp.float32),
        mesh=mesh,
        compiler_params=pltpu.CompilerParams(needs_layout_passes=False),
        scratch_types=[
            pltpu.VMEM((_CH,), jnp.float32),
            pltpu.VMEM((16,), jnp.float32),
            pltpu.VMEM((_CAP,), jnp.float32),
            pltpu.VMEM((_CAP,), jnp.int32),
            pltpu.VMEM((_VS + 16,), jnp.int32),
            pltpu.VMEM((_VS + 16, _D), jnp.float32),
            pltpu.SemaphoreType.DMA,
        ],
    )
    return f(sims.reshape(-1), thr.reshape(-1), vocab)


def _reward_body(w_ref, pos_ref, neg_ref, neut_ref, ass_ref,
                 se_ref, mx_ref, mn_ref):
    w = w_ref[0]

    def nrm(x):
        n = jnp.sqrt(jnp.sum(x * x, axis=1, keepdims=True))
        return x / jnp.maximum(n, 1e-12)

    wn = nrm(w)
    pn = nrm(pos_ref[0])
    ngn = nrm(neg_ref[0])
    ntn = nrm(neut_ref[0])
    an = nrm(ass_ref[0])

    def score(e):
        return lax.dot_general(wn, e, (((1,), (1,)), ((), ())),
                               preferred_element_type=jnp.float32,
                               precision=lax.Precision.HIGHEST)

    s_pos = score(pn)
    s_neg = score(ngn)
    s_neut = score(ntn)
    s_ass = score(an)

    m_neg = jnp.max(s_neg, axis=1, keepdims=True)
    m_neut = jnp.max(s_neut, axis=1, keepdims=True)
    m_ass = s_ass
    m_np = jnp.maximum(jnp.maximum(m_neg, m_neut), m_ass)

    primary = jnp.sum((s_pos >= m_np).astype(jnp.float32), axis=1,
                      keepdims=True)
    secondary = jnp.where(m_neg >= m_np, 0.0,
                          jnp.where(m_neut >= m_np, 1.0, -10.0))
    tot = primary + secondary

    iota_c = lax.broadcasted_iota(jnp.int32, (_VS, 1), 0).astype(jnp.float32)
    key_c = tot * 128.0 - iota_c
    key_r = jnp.transpose(key_c)
    gt = (key_r > key_c).astype(jnp.float32)
    rank = jnp.sum(gt, axis=1, keepdims=True)
    mask_max = (rank < _K).astype(jnp.float32)
    key2_c = -tot * 128.0 - iota_c
    key2_r = jnp.transpose(key2_c)
    gt2 = (key2_r > key2_c).astype(jnp.float32)
    rank2 = jnp.sum(gt2, axis=1, keepdims=True)
    mask_min = (rank2 < _K).astype(jnp.float32)
    onehot = (key_c >= jnp.max(key_c)).astype(jnp.float32)

    def pool(mask):
        s = jnp.sum(w * mask, axis=0, keepdims=True) / float(_K)
        n = jnp.sqrt(jnp.sum(s * s, axis=1, keepdims=True))
        return s / jnp.maximum(n, 1e-12)

    se_ref[...] = jnp.sum(w * onehot, axis=0, keepdims=True)[None]
    mx_ref[...] = pool(mask_max)[None]
    mn_ref[...] = pool(mask_min)[None]


def _run_reward(words, pos, neg, neut, ass):
    out_shape = tuple(jax.ShapeDtypeStruct((_B, 1, _D), jnp.float32)
                      for _ in range(3))
    spec_bd = pl.BlockSpec((1, 1, _D), lambda b: (b, 0, 0))
    se, mx, mn = pl.pallas_call(
        _reward_body,
        grid=(_B,),
        in_specs=[
            pl.BlockSpec((1, _VS, _D), lambda b: (b, 0, 0)),
            pl.BlockSpec((1, _NPOS, _D), lambda b: (b, 0, 0)),
            pl.BlockSpec((1, _NNEG, _D), lambda b: (b, 0, 0)),
            pl.BlockSpec((1, _NNEUT, _D), lambda b: (b, 0, 0)),
            spec_bd,
        ],
        out_specs=(spec_bd, spec_bd, spec_bd),
        out_shape=out_shape,
    )(words, pos, neg, neut, ass[:, None, :])
    return se[:, 0], mx[:, 0], mn[:, 0]


def kernel(pos_embs, neg_embs, neut_embs, assas_emb, vocab_table,
           W1, b1, W2, b2, W3, b3, W4, b4):
    mon = _run_mlp(pos_embs, neg_embs, neut_embs, assas_emb,
                   W1, b1, W2, b2, W3, b3, W4, b4)
    sims, bm3 = _run_sims(mon, vocab_table)
    bm = bm3.transpose(1, 0, 2).reshape(_B, _VPAD // 128)
    thr = _run_thr(bm)
    words = _run_sc_topk(sims, thr, vocab_table)
    se, mx, mn = _run_reward(words, pos_embs, neg_embs, neut_embs, assas_emb)
    return mon, se, mx, mn

# --- scband reference (transcript-rebuilt; emitter-appended) ---
"""Pipeline reference for scband-morspy-master-15350213116238 (READ-ONLY COPY).

The authoritative reference and input builder live on the scoring server;
editing this copy changes nothing except your own understanding.
"""

import jax, jax.numpy as jnp
import numpy as np

B = 64
N_POS, N_NEG, N_NEUT = 9, 8, 7
D = 768
VOCAB = 100000
VOCAB_SIZE = 80
NEUT_W, NEG_W, ASSAS_W = 1.0, 0.0, -10.0


def _glorot(key, shape):
    fan_in, fan_out = shape[1], shape[0]
    lim = jnp.sqrt(6.0 / (fan_in + fan_out))
    return jax.random.uniform(key, shape, minval=-lim, maxval=lim, dtype=jnp.float32)


def setup_inputs(seed: int = 0) -> dict:
    key = jax.random.key(seed)
    ks = jax.random.split(key, 16)
    pos_embs = jax.random.normal(ks[0], (B, N_POS, D), dtype=jnp.float32)
    neg_embs = jax.random.normal(ks[1], (B, N_NEG, D), dtype=jnp.float32)
    neut_embs = jax.random.normal(ks[2], (B, N_NEUT, D), dtype=jnp.float32)
    assas_emb = jax.random.normal(ks[3], (B, D), dtype=jnp.float32)
    vocab_table = jax.random.normal(ks[4], (VOCAB, D), dtype=jnp.float32)
    W1 = _glorot(ks[5], (2304, 3072)); b1 = jnp.zeros((2304,), jnp.float32)
    W2 = _glorot(ks[6], (1700, 2304)); b2 = jnp.zeros((1700,), jnp.float32)
    W3 = _glorot(ks[7], (1000, 1700)); b3 = jnp.zeros((1000,), jnp.float32)
    W4 = _glorot(ks[8], (768, 1000)); b4 = jnp.zeros((768,), jnp.float32)
    return {"pos_embs": pos_embs, "neg_embs": neg_embs, "neut_embs": neut_embs,
            "assas_emb": assas_emb, "vocab_table": vocab_table,
            "W1": W1, "b1": b1, "W2": W2, "b2": b2,
            "W3": W3, "b3": b3, "W4": W4, "b4": b4}


def _l2norm(x, axis=-1):
    return x / jnp.clip(jnp.linalg.norm(x, axis=axis, keepdims=True), 1e-12)


def _process(embs):
    # mean pool over dim 1, l2 normalize over dim 1 of result
    return _l2norm(jnp.mean(embs, axis=1), axis=1)


def _cos(a, b, axis=3):
    an = _l2norm(a, axis=axis)
    bn = _l2norm(b, axis=axis)
    return jnp.sum(an * bn, axis=axis)


def _expand(encs):
    # [B, n, D] -> [B, VOCAB_SIZE, n, D]
    return jnp.broadcast_to(encs[:, None, :, :], (encs.shape[0], VOCAB_SIZE, encs.shape[1], encs.shape[2]))


def _primary_reward(pos_s, neg_s, neut_s, assas_s):
    combined = jnp.concatenate([pos_s, neg_s, neut_s, assas_s], axis=2)
    order = jnp.argsort(-combined, axis=2)
    rewards_vec = jnp.concatenate([
        jnp.zeros((pos_s.shape[2],), jnp.float32),
        jnp.ones((neg_s.shape[2],), jnp.float32),
        jnp.ones((neut_s.shape[2],), jnp.float32),
        jnp.ones((assas_s.shape[2],), jnp.float32)], axis=0)
    rv = jnp.broadcast_to(rewards_vec, (combined.shape[0], VOCAB_SIZE, rewards_vec.shape[0]))
    rewards = jnp.take_along_axis(rv, order, axis=2)
    num_correct = jnp.argmax(rewards, axis=2)
    return num_correct.astype(jnp.float32)


def _secondary_reward(neg_s, neut_s, assas_s):
    combined = jnp.concatenate([neg_s, neut_s, assas_s], axis=2)
    order = jnp.argsort(-combined, axis=2)
    rewards_vec = jnp.concatenate([
        jnp.ones((neg_s.shape[2],), jnp.float32) * NEG_W,
        jnp.ones((neut_s.shape[2],), jnp.float32) * NEUT_W,
        jnp.ones((assas_s.shape[2],), jnp.float32) * ASSAS_W], axis=0)
    rv = jnp.broadcast_to(rewards_vec, (combined.shape[0], VOCAB_SIZE, rewards_vec.shape[0]))
    rewards = jnp.take_along_axis(rv, order, axis=2)
    return rewards[:, :, 0]


def reference(pos_embs, neg_embs, neut_embs, assas_emb, vocab_table,
              W1, b1, W2, b2, W3, b3, W4, b4):
    neg_emb = _process(neg_embs)
    neut_emb = _process(neut_embs)
    pos_emb = _process(pos_embs)
    concatenated = jnp.concatenate([neg_emb, assas_emb, neut_emb, pos_emb], axis=1)
    h = jnp.tanh(concatenated @ W1.T + b1)
    h = jnp.tanh(h @ W2.T + b2)
    h = jnp.tanh(h @ W3.T + b3)
    model_out = h @ W4.T + b4
    model_out = _l2norm(model_out, axis=1)
    # vocab.search: cosine / inner-product top-k over the vocab table
    vt = _l2norm(vocab_table, axis=1)
    sims = model_out @ vt.T  # [B, VOCAB]
    _, topk_idx = jax.lax.top_k(sims, VOCAB_SIZE)  # [B, VOCAB_SIZE]
    word_embeddings = jnp.take(vocab_table, topk_idx, axis=0)  # [B, VOCAB_SIZE, D]
    # find_search_embeddings
    word_expanded = word_embeddings[:, :, None, :]  # [B, V, 1, D]
    pos_e = _expand(pos_embs)
    neg_e = _expand(neg_embs)
    neut_e = _expand(neut_embs)
    assas_e = _expand(assas_emb[:, None, :])
    pos_s = _cos(word_expanded, pos_e)
    neg_s = _cos(word_expanded, neg_e)
    neut_s = _cos(word_expanded, neut_e)
    assas_s = _cos(word_expanded, assas_e)
    tot_reward = _primary_reward(pos_s, neg_s, neut_s, assas_s) + _secondary_reward(neg_s, neut_s, assas_s)
    k = word_embeddings.shape[1] // 2
    _, idx_max = jax.lax.top_k(tot_reward, k)
    _, idx_min = jax.lax.top_k(-tot_reward, k)
    emb_max = jnp.take_along_axis(word_embeddings, idx_max[:, :, None], axis=1)
    emb_min = jnp.take_along_axis(word_embeddings, idx_min[:, :, None], axis=1)
    max_pooled = _process(emb_max)
    min_pooled = _process(emb_min)
    search_embedding = emb_max[:, 0]
    return (model_out, search_embedding, max_pooled, min_pooled)

if __name__ == "__main__":
    import jax
    _d = setup_inputs()
    print(jax.jit(kernel)(*tuple(_d.values())))

</pallas_src>

<mosaic_0001>
#map = affine_map<(d0, d1) -> (0)>
#map1 = affine_map<(d0, d1) -> (0, 0)>
#map2 = affine_map<(d0, d1) -> (0, 0, 0)>
module attributes {stable_mosaic.version = 14 : i64} {
  func.func @_sc_topk_body(%arg0: i32, %arg1: i32, %arg2: memref<6422528xf32, #tpu.memory_space<hbm>>, %arg3: memref<1024xf32, #tpu.memory_space<hbm>>, %arg4: memref<100000x768xf32, #tpu.memory_space<hbm>>, %arg5: memref<64x80x768xf32, #tpu.memory_space<hbm>>, %arg6: memref<12544xf32, #tpu.memory_space<vmem>>, %arg7: memref<16xf32, #tpu.memory_space<vmem>>, %arg8: memref<1024xf32, #tpu.memory_space<vmem>>, %arg9: memref<1024xi32, #tpu.memory_space<vmem>>, %arg10: memref<96xi32, #tpu.memory_space<vmem>>, %arg11: memref<96x768xf32, #tpu.memory_space<vmem>>, %arg12: memref<!tpu.dma_semaphore, #tpu.memory_space<semaphore_mem>>) attributes {dimension_semantics = [#tpu.dimension_semantics<core_parallel>, #tpu.dimension_semantics<subcore_parallel>], iteration_bounds = array<i64: 2, 16>, scalar_prefetch = 0 : i64, scratch_operands = 7 : i64, tpu.core_type = #tpu.core_type<sc_vector_subcore>, window_params = [{transform_indices = #map}, {transform_indices = #map}, {transform_indices = #map1}, {transform_indices = #map2}]} {
    %iota3A = tpu.iota {dimensions = array<i32: 0>} : vector<16xi32>
    %mul3A = arith.constant 16 : i32
    %mul3A_0 = arith.muli %arg0, %mul3A : i32
    %add3A = arith.addi %mul3A_0, %arg1 : i32
    %scan3A = arith.constant 0 : i32
    %scan3A_1 = arith.constant 0 : i32
    %scan3A_2 = arith.constant 2 : i32
    %scan3A_3 = arith.addi %scan3A_1, %scan3A_2 : i32
    %scan3A_4 = arith.constant 1 : i32
    %scan3A_5 = scf.for %scan3A_7 = %scan3A_1 to %scan3A_3 step %scan3A_4 iter_args(%scan3A_8 = %scan3A) -> (i32)  : i32 {
      %mul3A_9 = arith.constant 2 : i32
      %mul3A_10 = arith.muli %add3A, %mul3A_9 : i32
      %add3A_11 = arith.addi %mul3A_10, %scan3A_7 : i32
      %mul3A_12 = arith.constant 100352 : i32
      %mul3A_13 = arith.muli %add3A_11, %mul3A_12 : i32
      %mul3A_14 = arith.constant 16 : i32
      %mul3A_15 = arith.muli %add3A_11, %mul3A_14 : i32
      "tpu.region"() ({
        %run_scoped3A = tpu.sem_alloc : memref<!tpu.dma_semaphore, #tpu.memory_space<semaphore_mem>>
        %dma_start3A_50 = tpu.memref_slice %arg3[%mul3A_15] : memref<1024xf32, #tpu.memory_space<hbm>> -> memref<16xf32, #tpu.memory_space<hbm>>
        %dma_start3A_51 = tpu.memref_slice %arg3[%mul3A_15] : memref<1024xf32, #tpu.memory_space<hbm>> -> memref<16xf32, #tpu.memory_space<hbm>>
        tpu.enqueue_dma source(%dma_start3A_51 : memref<16xf32, #tpu.memory_space<hbm>>) target(%arg7 : memref<16xf32, #tpu.memory_space<vmem>>) target_semaphore(%run_scoped3A : memref<!tpu.dma_semaphore, #tpu.memory_space<semaphore_mem>>)
        %dma_wait3A_52 = tpu.memref_slice %arg3[%mul3A_15] : memref<1024xf32, #tpu.memory_space<hbm>> -> memref<16xf32, #tpu.memory_space<hbm>>
        %dma_wait3A_53 = tpu.memref_slice %arg3[%mul3A_15] : memref<1024xf32, #tpu.memory_space<hbm>> -> memref<16xf32, #tpu.memory_space<hbm>>
        tpu.wait_dma2 semaphore(%run_scoped3A : memref<!tpu.dma_semaphore, #tpu.memory_space<semaphore_mem>>) src(%dma_wait3A_53 : memref<16xf32, #tpu.memory_space<hbm>>) dst(%arg7 : memref<16xf32, #tpu.memory_space<vmem>>)
        tpu.yield
      }) : () -> ()
      %get3A = arith.constant 0 : index
      %get3A_16 = tpu.vector_load %arg7[%get3A] {strides = array<i32>} : memref<16xf32, #tpu.memory_space<vmem>>, vector<16xf32>,
      %scan3A_17 = arith.constant 0 : i32
      %scan3A_18 = arith.constant 0 : i32
      %scan3A_19 = arith.constant 8 : i32
      %scan3A_20 = arith.addi %scan3A_18, %scan3A_19 : i32
      %scan3A_21 = arith.constant 1 : i32
      %scan3A_22 = scf.for %scan3A_50 = %scan3A_18 to %scan3A_20 step %scan3A_21 iter_args(%scan3A_51 = %scan3A_17) -> (i32)  : i32 {
        %mul3A_52 = arith.constant 12544 : i32
        %mul3A_53 = arith.muli %scan3A_50, %mul3A_52 : i32
        %add3A_54 = arith.addi %mul3A_13, %mul3A_53 : i32
        "tpu.region"() ({
          %run_scoped3A = tpu.sem_alloc : memref<!tpu.dma_semaphore, #tpu.memory_space<semaphore_mem>>
          %dma_start3A_61 = tpu.memref_slice %arg2[%add3A_54] : memref<6422528xf32, #tpu.memory_space<hbm>> -> memref<12544xf32, #tpu.memory_space<hbm>>
          %dma_start3A_62 = tpu.memref_slice %arg2[%add3A_54] : memref<6422528xf32, #tpu.memory_space<hbm>> -> memref<12544xf32, #tpu.memory_space<hbm>>
          tpu.enqueue_dma source(%dma_start3A_62 : memref<12544xf32, #tpu.memory_space<hbm>>) target(%arg6 : memref<12544xf32, #tpu.memory_space<vmem>>) target_semaphore(%run_scoped3A : memref<!tpu.dma_semaphore, #tpu.memory_space<semaphore_mem>>)
          %dma_wait3A_63 = tpu.memref_slice %arg2[%add3A_54] : memref<6422528xf32, #tpu.memory_space<hbm>> -> memref<12544xf32, #tpu.memory_space<hbm>>
          %dma_wait3A_64 = tpu.memref_slice %arg2[%add3A_54] : memref<6422528xf32, #tpu.memory_space<hbm>> -> memref<12544xf32, #tpu.memory_space<hbm>>
          tpu.wait_dma2 semaphore(%run_scoped3A : memref<!tpu.dma_semaphore, #tpu.memory_space<semaphore_mem>>) src(%dma_wait3A_64 : memref<12544xf32, #tpu.memory_space<hbm>>) dst(%arg6 : memref<12544xf32, #tpu.memory_space<vmem>>)
          tpu.yield
        }) : () -> ()
        %scan3A_55 = arith.constant 0 : i32
        %scan3A_56 = arith.constant 98 : i32
        %scan3A_57 = arith.addi %scan3A_55, %scan3A_56 : i32
        %scan3A_58 = arith.constant 1 : i32
        %scan3A_59 = scf.for %scan3A_61 = %scan3A_55 to %scan3A_57 step %scan3A_58 iter_args(%scan3A_62 = %scan3A_51) -> (i32)  : i32 {
          %mul3A_63 = arith.constant 128 : i32
          %mul3A_64 = arith.muli %scan3A_61, %mul3A_63 : i32
          %add3A_65 = arith.constant 0 : i32
          %add3A_66 = arith.addi %mul3A_64, %add3A_65 : i32
          %get3A_67 = arith.index_cast %add3A_66 : i32 to index
          %get3A_68 = tpu.vector_load %arg6[%get3A_67] {strides = array<i32>} : memref<12544xf32, #tpu.memory_space<vmem>>, vector<16xf32>,
          %mul3A_69 = arith.constant 128 : i32
          %mul3A_70 = arith.muli %scan3A_61, %mul3A_69 : i32
          %add3A_71 = arith.constant 16 : i32
          %add3A_72 = arith.addi %mul3A_70, %add3A_71 : i32
          %get3A_73 = arith.index_cast %add3A_72 : i32 to index
          %get3A_74 = tpu.vector_load %arg6[%get3A_73] {strides = array<i32>} : memref<12544xf32, #tpu.memory_space<vmem>>, vector<16xf32>,
          %mul3A_75 = arith.constant 128 : i32
          %mul3A_76 = arith.muli %scan3A_61, %mul3A_75 : i32
          %add3A_77 = arith.constant 32 : i32
          %add3A_78 = arith.addi %mul3A_76, %add3A_77 : i32
          %get3A_79 = arith.index_cast %add3A_78 : i32 to index
          %get3A_80 = tpu.vector_load %arg6[%get3A_79] {strides = array<i32>} : memref<12544xf32, #tpu.memory_space<vmem>>, vector<16xf32>,
          %mul3A_81 = arith.constant 128 : i32
          %mul3A_82 = arith.muli %scan3A_61, %mul3A_81 : i32
          %add3A_83 = arith.constant 48 : i32
          %add3A_84 = arith.addi %mul3A_82, %add3A_83 : i32
          %get3A_85 = arith.index_cast %add3A_84 : i32 to index
          %get3A_86 = tpu.vector_load %arg6[%get3A_85] {strides = array<i32>} : memref<12544xf32, #tpu.memory_space<vmem>>, vector<16xf32>,
          %mul3A_87 = arith.constant 128 : i32
          %mul3A_88 = arith.muli %scan3A_61, %mul3A_87 : i32
          %add3A_89 = arith.constant 64 : i32
          %add3A_90 = arith.addi %mul3A_88, %add3A_89 : i32
          %get3A_91 = arith.index_cast %add3A_90 : i32 to index
          %get3A_92 = tpu.vector_load %arg6[%get3A_91] {strides = array<i32>} : memref<12544xf32, #tpu.memory_space<vmem>>, vector<16xf32>,
          %mul3A_93 = arith.constant 128 : i32
          %mul3A_94 = arith.muli %scan3A_61, %mul3A_93 : i32
          %add3A_95 = arith.constant 80 : i32
          %add3A_96 = arith.addi %mul3A_94, %add3A_95 : i32
          %get3A_97 = arith.index_cast %add3A_96 : i32 to index
          %get3A_98 = tpu.vector_load %arg6[%get3A_97] {strides = array<i32>} : memref<12544xf32, #tpu.memory_space<vmem>>, vector<16xf32>,
          %mul3A_99 = arith.constant 128 : i32
          %mul3A_100 = arith.muli %scan3A_61, %mul3A_99 : i32
          %add3A_101 = arith.constant 96 : i32
          %add3A_102 = arith.addi %mul3A_100, %add3A_101 : i32
          %get3A_103 = arith.index_cast %add3A_102 : i32 to index
          %get3A_104 = tpu.vector_load %arg6[%get3A_103] {strides = array<i32>} : memref<12544xf32, #tpu.memory_space<vmem>>, vector<16xf32>,
          %mul3A_105 = arith.constant 128 : i32
          %mul3A_106 = arith.muli %scan3A_61, %mul3A_105 : i32
          %add3A_107 = arith.constant 112 : i32
          %add3A_108 = arith.addi %mul3A_106, %add3A_107 : i32
          %get3A_109 = arith.index_cast %add3A_108 : i32 to index
          %get3A_110 = tpu.vector_load %arg6[%get3A_109] {strides = array<i32>} : memref<12544xf32, #tpu.memory_space<vmem>>, vector<16xf32>,
          %max3A = arith.maximumf %get3A_68, %get3A_74 : vector<16xf32>
          %max3A_111 = arith.maximumf %get3A_80, %get3A_86 : vector<16xf32>
          %max3A_112 = arith.maximumf %get3A_92, %get3A_98 : vector<16xf32>
          %max3A_113 = arith.maximumf %get3A_104, %get3A_110 : vector<16xf32>
          %max3A_114 = arith.maximumf %max3A, %max3A_111 : vector<16xf32>
          %max3A_115 = arith.maximumf %max3A_112, %max3A_113 : vector<16xf32>
          %max3A_116 = arith.maximumf %max3A_114, %max3A_115 : vector<16xf32>
          %ge3A = arith.cmpf oge, %max3A_116, %get3A_16 : vector<16xf32>
          %jit3A = arith.constant 1 : i32
          %jit3A_117 = arith.constant 0 : i32
          %broadcast_in_dim3A = vector.broadcast %jit3A : i32 to vector<16xi32>
          %broadcast_in_dim3A_118 = vector.broadcast %jit3A_117 : i32 to vector<16xi32>
          %select_n3A = arith.select %ge3A, %broadcast_in_dim3A, %broadcast_in_dim3A_118 : vector<16xi1>, vector<16xi32>
          %reduce_sum3A = arith.constant true
          %reduce_sum3A_119 = vector.broadcast %reduce_sum3A : i1 to vector<16xi1>
          %reduce_sum3A_120 = tpu.scan <sum>, %select_n3A masked %reduce_sum3A_119 : vector<16xi32>, vector<16xi1> -> vector<16xi32>
          %reduce_sum3A_121 = vector.extract %reduce_sum3A_120[15] : i32 from vector<16xi32>
          %gt3A = arith.constant 0 : i32
          %gt3A_122 = arith.cmpi sgt, %reduce_sum3A_121, %gt3A : i32
          %convert_element_type3A = arith.extui %gt3A_122 : i1 to i32
          %cond3A = arith.constant 0 : i32
          %cond3A_123 = arith.cmpi ne, %convert_element_type3A, %cond3A : i32
          %cond3A_124 = scf.if %cond3A_123 -> (i32) {
            %ge3A_125 = arith.cmpf oge, %get3A_68, %get3A_16 : vector<16xf32>
            %min3A = arith.constant 1008 : i32
            %min3A_126 = arith.minsi %scan3A_62, %min3A : i32
            %swap3A = arith.index_cast %min3A_126 : i32 to index
            %swap3A_127 = tpu.vector_load %arg8[%swap3A] masked %ge3A_125 {strides = array<i32>} : memref<1024xf32, #tpu.memory_space<vmem>>, vector<16xf32>, vector<16xi1>
            tpu.vector_store %arg8[%swap3A], %get3A_68 masked %ge3A_125 {strides = array<i32>} : memref<1024xf32, #tpu.memory_space<vmem>>, vector<16xf32>, vector<16xi1>
            %mul3A_128 = arith.constant 12544 : i32
            %mul3A_129 = arith.muli %scan3A_50, %mul3A_128 : i32
            %mul3A_130 = arith.constant 128 : i32
            %mul3A_131 = arith.muli %scan3A_61, %mul3A_130 : i32
            %add3A_132 = arith.addi %mul3A_129, %mul3A_131 : i32
            %add3A_133 = arith.constant 0 : i32
            %add3A_134 = arith.addi %add3A_132, %add3A_133 : i32
            %add3A_135 = vector.broadcast %add3A_134 : i32 to vector<16xi32>
            %add3A_136 = arith.addi %iota3A, %add3A_135 : vector<16xi32>
            %swap3A_137 = arith.index_cast %min3A_126 : i32 to index
            %swap3A_138 = tpu.vector_load %arg9[%swap3A_137] masked %ge3A_125 {strides = array<i32>} : memref<1024xi32, #tpu.memory_space<vmem>>, vector<16xi32>, vector<16xi1>
            tpu.vector_store %arg9[%swap3A_137], %add3A_136 masked %ge3A_125 {strides = array<i32>} : memref<1024xi32, #tpu.memory_space<vmem>>, vector<16xi32>, vector<16xi1>
            %jit3A_139 = arith.constant 1 : i32
            %jit3A_140 = arith.constant 0 : i32
            %broadcast_in_dim3A_141 = vector.broadcast %jit3A_139 : i32 to vector<16xi32>
            %broadcast_in_dim3A_142 = vector.broadcast %jit3A_140 : i32 to vector<16xi32>
            %select_n3A_143 = arith.select %ge3A_125, %broadcast_in_dim3A_141, %broadcast_in_dim3A_142 : vector<16xi1>, vector<16xi32>
            %reduce_sum3A_144 = arith.constant true
            %reduce_sum3A_145 = vector.broadcast %reduce_sum3A_144 : i1 to vector<16xi1>
            %reduce_sum3A_146 = tpu.scan <sum>, %select_n3A_143 masked %reduce_sum3A_145 : vector<16xi32>, vector<16xi1> -> vector<16xi32>
            %reduce_sum3A_147 = vector.extract %reduce_sum3A_146[15] : i32 from vector<16xi32>
            %add3A_148 = arith.addi %scan3A_62, %reduce_sum3A_147 : i32
            %min3A_149 = arith.constant 1008 : i32
            %min3A_150 = arith.minsi %add3A_148, %min3A_149 : i32
            %ge3A_151 = arith.cmpf oge, %get3A_74, %get3A_16 : vector<16xf32>
            %min3A_152 = arith.constant 1008 : i32
            %min3A_153 = arith.minsi %min3A_150, %min3A_152 : i32
            %swap3A_154 = arith.index_cast %min3A_153 : i32 to index
            %swap3A_155 = tpu.vector_load %arg8[%swap3A_154] masked %ge3A_151 {strides = array<i32>} : memref<1024xf32, #tpu.memory_space<vmem>>, vector<16xf32>, vector<16xi1>
            tpu.vector_store %arg8[%swap3A_154], %get3A_74 masked %ge3A_151 {strides = array<i32>} : memref<1024xf32, #tpu.memory_space<vmem>>, vector<16xf32>, vector<16xi1>
            %mul3A_156 = arith.constant 12544 : i32
            %mul3A_157 = arith.muli %scan3A_50, %mul3A_156 : i32
            %mul3A_158 = arith.constant 128 : i32
            %mul3A_159 = arith.muli %scan3A_61, %mul3A_158 : i32
            %add3A_160 = arith.addi %mul3A_157, %mul3A_159 : i32
            %add3A_161 = arith.constant 16 : i32
            %add3A_162 = arith.addi %add3A_160, %add3A_161 : i32
            %add3A_163 = vector.broadcast %add3A_162 : i32 to vector<16xi32>
            %add3A_164 = arith.addi %iota3A, %add3A_163 : vector<16xi32>
            %swap3A_165 = arith.index_cast %min3A_153 : i32 to index
            %swap3A_166 = tpu.vector_load %arg9[%swap3A_165] masked %ge3A_151 {strides = array<i32>} : memref<1024xi32, #tpu.memory_space<vmem>>, vector<16xi32>, vector<16xi1>
            tpu.vector_store %arg9[%swap3A_165], %add3A_164 masked %ge3A_151 {strides = array<i32>} : memref<1024xi32, #tpu.memory_space<vmem>>, vector<16xi32>, vector<16xi1>
            %jit3A_167 = arith.constant 1 : i32
            %jit3A_168 = arith.constant 0 : i32
            %broadcast_in_dim3A_169 = vector.broadcast %jit3A_167 : i32 to vector<16xi32>
            %broadcast_in_dim3A_170 = vector.broadcast %jit3A_168 : i32 to vector<16xi32>
            %select_n3A_171 = arith.select %ge3A_151, %broadcast_in_dim3A_169, %broadcast_in_dim3A_170 : vector<16xi1>, vector<16xi32>
            %reduce_sum3A_172 = arith.constant true
            %reduce_sum3A_173 = vector.broadcast %reduce_sum3A_172 : i1 to vector<16xi1>
            %reduce_sum3A_174 = tpu.scan <sum>, %select_n3A_171 masked %reduce_sum3A_173 : vector<16xi32>, vector<16xi1> -> vector<16xi32>
            %reduce_sum3A_175 = vector.extract %reduce_sum3A_174[15] : i32 from vector<16xi32>
            %add3A_176 = arith.addi %min3A_150, %reduce_sum3A_175 : i32
            %min3A_177 = arith.constant 1008 : i32
            %min3A_178 = arith.minsi %add3A_176, %min3A_177 : i32
            %ge3A_179 = arith.cmpf oge, %get3A_80, %get3A_16 : vector<16xf32>
            %min3A_180 = arith.constant 1008 : i32
            %min3A_181 = arith.minsi %min3A_178, %min3A_180 : i32
            %swap3A_182 = arith.index_cast %min3A_181 : i32 to index
            %swap3A_183 = tpu.vector_load %arg8[%swap3A_182] masked %ge3A_179 {strides = array<i32>} : memref<1024xf32, #tpu.memory_space<vmem>>, vector<16xf32>, vector<16xi1>
            tpu.vector_store %arg8[%swap3A_182], %get3A_80 masked %ge3A_179 {strides = array<i32>} : memref<1024xf32, #tpu.memory_space<vmem>>, vector<16xf32>, vector<16xi1>
            %mul3A_184 = arith.constant 12544 : i32
            %mul3A_185 = arith.muli %scan3A_50, %mul3A_184 : i32
            %mul3A_186 = arith.constant 128 : i32
            %mul3A_187 = arith.muli %scan3A_61, %mul3A_186 : i32
            %add3A_188 = arith.addi %mul3A_185, %mul3A_187 : i32
            %add3A_189 = arith.constant 32 : i32
            %add3A_190 = arith.addi %add3A_188, %add3A_189 : i32
            %add3A_191 = vector.broadcast %add3A_190 : i32 to vector<16xi32>
            %add3A_192 = arith.addi %iota3A, %add3A_191 : vector<16xi32>
            %swap3A_193 = arith.index_cast %min3A_181 : i32 to index
            %swap3A_194 = tpu.vector_load %arg9[%swap3A_193] masked %ge3A_179 {strides = array<i32>} : memref<1024xi32, #tpu.memory_space<vmem>>, vector<16xi32>, vector<16xi1>
            tpu.vector_store %arg9[%swap3A_193], %add3A_192 masked %ge3A_179 {strides = array<i32>} : memref<1024xi32, #tpu.memory_space<vmem>>, vector<16xi32>, vector<16xi1>
            %jit3A_195 = arith.constant 1 : i32
            %jit3A_196 = arith.constant 0 : i32
            %broadcast_in_dim3A_197 = vector.broadcast %jit3A_195 : i32 to vector<16xi32>
            %broadcast_in_dim3A_198 = vector.broadcast %jit3A_196 : i32 to vector<16xi32>
            %select_n3A_199 = arith.select %ge3A_179, %broadcast_in_dim3A_197, %broadcast_in_dim3A_198 : vector<16xi1>, vector<16xi32>
            %reduce_sum3A_200 = arith.constant true
            %reduce_sum3A_201 = vector.broadcast %reduce_sum3A_200 : i1 to vector<16xi1>
            %reduce_sum3A_202 = tpu.scan <sum>, %select_n3A_199 masked %reduce_sum3A_201 : vector<16xi32>, vector<16xi1> -> vector<16xi32>
            %reduce_sum3A_203 = vector.extract %reduce_sum3A_202[15] : i32 from vector<16xi32>
            %add3A_204 = arith.addi %min3A_178, %reduce_sum3A_203 : i32
            %min3A_205 = arith.constant 1008 : i32
            %min3A_206 = arith.minsi %add3A_204, %min3A_205 : i32
            %ge3A_207 = arith.cmpf oge, %get3A_86, %get3A_16 : vector<16xf32>
            %min3A_208 = arith.constant 1008 : i32
            %min3A_209 = arith.minsi %min3A_206, %min3A_208 : i32
            %swap3A_210 = arith.index_cast %min3A_209 : i32 to index
            %swap3A_211 = tpu.vector_load %arg8[%swap3A_210] masked %ge3A_207 {strides = array<i32>} : memref<1024xf32, #tpu.memory_space<vmem>>, vector<16xf32>, vector<16xi1>
            tpu.vector_store %arg8[%swap3A_210], %get3A_86 masked %ge3A_207 {strides = array<i32>} : memref<1024xf32, #tpu.memory_space<vmem>>, vector<16xf32>, vector<16xi1>
            %mul3A_212 = arith.constant 12544 : i32
            %mul3A_213 = arith.muli %scan3A_50, %mul3A_212 : i32
            %mul3A_214 = arith.constant 128 : i32
            %mul3A_215 = arith.muli %scan3A_61, %mul3A_214 : i32
            %add3A_216 = arith.addi %mul3A_213, %mul3A_215 : i32
            %add3A_217 = arith.constant 48 : i32
            %add3A_218 = arith.addi %add3A_216, %add3A_217 : i32
            %add3A_219 = vector.broadcast %add3A_218 : i32 to vector<16xi32>
            %add3A_220 = arith.addi %iota3A, %add3A_219 : vector<16xi32>
            %swap3A_221 = arith.index_cast %min3A_209 : i32 to index
            %swap3A_222 = tpu.vector_load %arg9[%swap3A_221] masked %ge3A_207 {strides = array<i32>} : memref<1024xi32, #tpu.memory_space<vmem>>, vector<16xi32>, vector<16xi1>
            tpu.vector_store %arg9[%swap3A_221], %add3A_220 masked %ge3A_207 {strides = array<i32>} : memref<1024xi32, #tpu.memory_space<vmem>>, vector<16xi32>, vector<16xi1>
            %jit3A_223 = arith.constant 1 : i32
            %jit3A_224 = arith.constant 0 : i32
            %broadcast_in_dim3A_225 = vector.broadcast %jit3A_223 : i32 to vector<16xi32>
            %broadcast_in_dim3A_226 = vector.broadcast %jit3A_224 : i32 to vector<16xi32>
            %select_n3A_227 = arith.select %ge3A_207, %broadcast_in_dim3A_225, %broadcast_in_dim3A_226 : vector<16xi1>, vector<16xi32>
            %reduce_sum3A_228 = arith.constant true
            %reduce_sum3A_229 = vector.broadcast %reduce_sum3A_228 : i1 to vector<16xi1>
            %reduce_sum3A_230 = tpu.scan <sum>, %select_n3A_227 masked %reduce_sum3A_229 : vector<16xi32>, vector<16xi1> -> vector<16xi32>
            %reduce_sum3A_231 = vector.extract %reduce_sum3A_230[15] : i32 from vector<16xi32>
            %add3A_232 = arith.addi %min3A_206, %reduce_sum3A_231 : i32
            %min3A_233 = arith.constant 1008 : i32
            %min3A_234 = arith.minsi %add3A_232, %min3A_233 : i32
            %ge3A_235 = arith.cmpf oge, %get3A_92, %get3A_16 : vector<16xf32>
            %min3A_236 = arith.constant 1008 : i32
            %min3A_237 = arith.minsi %min3A_234, %min3A_236 : i32
            %swap3A_238 = arith.index_cast %min3A_237 : i32 to index
            %swap3A_239 = tpu.vector_load %arg8[%swap3A_238] masked %ge3A_235 {strides = array<i32>} : memref<1024xf32, #tpu.memory_space<vmem>>, vector<16xf32>, vector<16xi1>
            tpu.vector_store %arg8[%swap3A_238], %get3A_92 masked %ge3A_235 {strides = array<i32>} : memref<1024xf32, #tpu.memory_space<vmem>>, vector<16xf32>, vector<16xi1>
            %mul3A_240 = arith.constant 12544 : i32
            %mul3A_241 = arith.muli %scan3A_50, %mul3A_240 : i32
            %mul3A_242 = arith.constant 128 : i32
            %mul3A_243 = arith.muli %scan3A_61, %mul3A_242 : i32
            %add3A_244 = arith.addi %mul3A_241, %mul3A_243 : i32
            %add3A_245 = arith.constant 64 : i32
            %add3A_246 = arith.addi %add3A_244, %add3A_245 : i32
            %add3A_247 = vector.broadcast %add3A_246 : i32 to vector<16xi32>
            %add3A_248 = arith.addi %iota3A, %add3A_247 : vector<16xi32>
            %swap3A_249 = arith.index_cast %min3A_237 : i32 to index
            %swap3A_250 = tpu.vector_load %arg9[%swap3A_249] masked %ge3A_235 {strides = array<i32>} : memref<1024xi32, #tpu.memory_space<vmem>>, vector<16xi32>, vector<16xi1>
            tpu.vector_store %arg9[%swap3A_249], %add3A_248 masked %ge3A_235 {strides = array<i32>} : memref<1024xi32, #tpu.memory_space<vmem>>, vector<16xi32>, vector<16xi1>
            %jit3A_251 = arith.constant 1 : i32
            %jit3A_252 = arith.constant 0 : i32
            %broadcast_in_dim3A_253 = vector.broadcast %jit3A_251 : i32 to vector<16xi32>
            %broadcast_in_dim3A_254 = vector.broadcast %jit3A_252 : i32 to vector<16xi32>
            %select_n3A_255 = arith.select %ge3A_235, %broadcast_in_dim3A_253, %broadcast_in_dim3A_254 : vector<16xi1>, vector<16xi32>
            %reduce_sum3A_256 = arith.constant true
            %reduce_sum3A_257 = vector.broadcast %reduce_sum3A_256 : i1 to vector<16xi1>
            %reduce_sum3A_258 = tpu.scan <sum>, %select_n3A_255 masked %reduce_sum3A_257 : vector<16xi32>, vector<16xi1> -> vector<16xi32>
            %reduce_sum3A_259 = vector.extract %reduce_sum3A_258[15] : i32 from vector<16xi32>
            %add3A_260 = arith.addi %min3A_234, %reduce_sum3A_259 : i32
            %min3A_261 = arith.constant 1008 : i32
            %min3A_262 = arith.minsi %add3A_260, %min3A_261 : i32
            %ge3A_263 = arith.cmpf oge, %get3A_98, %get3A_16 : vector<16xf32>
            %min3A_264 = arith.constant 1008 : i32
            %min3A_265 = arith.minsi %min3A_262, %min3A_264 : i32
            %swap3A_266 = arith.index_cast %min3A_265 : i32 to index
            %swap3A_267 = tpu.vector_load %arg8[%swap3A_266] masked %ge3A_263 {strides = array<i32>} : memref<1024xf32, #tpu.memory_space<vmem>>, vector<16xf32>, vector<16xi1>
            tpu.vector_store %arg8[%swap3A_266], %get3A_98 masked %ge3A_263 {strides = array<i32>} : memref<1024xf32, #tpu.memory_space<vmem>>, vector<16xf32>, vector<16xi1>
            %mul3A_268 = arith.constant 12544 : i32
            %mul3A_269 = arith.muli %scan3A_50, %mul3A_268 : i32
            %mul3A_270 = arith.constant 128 : i32
            %mul3A_271 = arith.muli %scan3A_61, %mul3A_270 : i32
            %add3A_272 = arith.addi %mul3A_269, %mul3A_271 : i32
            %add3A_273 = arith.constant 80 : i32
            %add3A_274 = arith.addi %add3A_272, %add3A_273 : i32
            %add3A_275 = vector.broadcast %add3A_274 : i32 to vector<16xi32>
            %add3A_276 = arith.addi %iota3A, %add3A_275 : vector<16xi32>
            %swap3A_277 = arith.index_cast %min3A_265 : i32 to index
            %swap3A_278 = tpu.vector_load %arg9[%swap3A_277] masked %ge3A_263 {strides = array<i32>} : memref<1024xi32, #tpu.memory_space<vmem>>, vector<16xi32>, vector<16xi1>
            tpu.vector_store %arg9[%swap3A_277], %add3A_276 masked %ge3A_263 {strides = array<i32>} : memref<1024xi32, #tpu.memory_space<vmem>>, vector<16xi32>, vector<16xi1>
            %jit3A_279 = arith.constant 1 : i32
            %jit3A_280 = arith.constant 0 : i32
            %broadcast_in_dim3A_281 = vector.broadcast %jit3A_279 : i32 to vector<16xi32>
            %broadcast_in_dim3A_282 = vector.broadcast %jit3A_280 : i32 to vector<16xi32>
            %select_n3A_283 = arith.select %ge3A_263, %broadcast_in_dim3A_281, %broadcast_in_dim3A_282 : vector<16xi1>, vector<16xi32>
            %reduce_sum3A_284 = arith.constant true
            %reduce_sum3A_285 = vector.broadcast %reduce_sum3A_284 : i1 to vector<16xi1>
            %reduce_sum3A_286 = tpu.scan <sum>, %select_n3A_283 masked %reduce_sum3A_285 : vector<16xi32>, vector<16xi1> -> vector<16xi32>
            %reduce_sum3A_287 = vector.extract %reduce_sum3A_286[15] : i32 from vector<16xi32>
            %add3A_288 = arith.addi %min3A_262, %reduce_sum3A_287 : i32
            %min3A_289 = arith.constant 1008 : i32
            %min3A_290 = arith.minsi %add3A_288, %min3A_289 : i32
            %ge3A_291 = arith.cmpf oge, %get3A_104, %get3A_16 : vector<16xf32>
            %min3A_292 = arith.constant 1008 : i32
            %min3A_293 = arith.minsi %min3A_290, %min3A_292 : i32
            %swap3A_294 = arith.index_cast %min3A_293 : i32 to index
            %swap3A_295 = tpu.vector_load %arg8[%swap3A_294] masked %ge3A_291 {strides = array<i32>} : memref<1024xf32, #tpu.memory_space<vmem>>, vector<16xf32>, vector<16xi1>
            tpu.vector_store %arg8[%swap3A_294], %get3A_104 masked %ge3A_291 {strides = array<i32>} : memref<1024xf32, #tpu.memory_space<vmem>>, vector<16xf32>, vector<16xi1>
            %mul3A_296 = arith.constant 12544 : i32
            %mul3A_297 = arith.muli %scan3A_50, %mul3A_296 : i32
            %mul3A_298 = arith.constant 128 : i32
            %mul3A_299 = arith.muli %scan3A_61, %mul3A_298 : i32
            %add3A_300 = arith.addi %mul3A_297, %mul3A_299 : i32
            %add3A_301 = arith.constant 96 : i32
            %add3A_302 = arith.addi %add3A_300, %add3A_301 : i32
            %add3A_303 = vector.broadcast %add3A_302 : i32 to vector<16xi32>
            %add3A_304 = arith.addi %iota3A, %add3A_303 : vector<16xi32>
            %swap3A_305 = arith.index_cast %min3A_293 : i32 to index
            %swap3A_306 = tpu.vector_load %arg9[%swap3A_305] masked %ge3A_291 {strides = array<i32>} : memref<1024xi32, #tpu.memory_space<vmem>>, vector<16xi32>, vector<16xi1>
            tpu.vector_store %arg9[%swap3A_305], %add3A_304 masked %ge3A_291 {strides = array<i32>} : memref<1024xi32, #tpu.memory_space<vmem>>, vector<16xi32>, vector<16xi1>
            %jit3A_307 = arith.constant 1 : i32
            %jit3A_308 = arith.constant 0 : i32
            %broadcast_in_dim3A_309 = vector.broadcast %jit3A_307 : i32 to vector<16xi32>
            %broadcast_in_dim3A_310 = vector.broadcast %jit3A_308 : i32 to vector<16xi32>
            %select_n3A_311 = arith.select %ge3A_291, %broadcast_in_dim3A_309, %broadcast_in_dim3A_310 : vector<16xi1>, vector<16xi32>
            %reduce_sum3A_312 = arith.constant true
            %reduce_sum3A_313 = vector.broadcast %reduce_sum3A_312 : i1 to vector<16xi1>
            %reduce_sum3A_314 = tpu.scan <sum>, %select_n3A_311 masked %reduce_sum3A_313 : vector<16xi32>, vector<16xi1> -> vector<16xi32>
            %reduce_sum3A_315 = vector.extract %reduce_sum3A_314[15] : i32 from vector<16xi32>
            %add3A_316 = arith.addi %min3A_290, %reduce_sum3A_315 : i32
            %min3A_317 = arith.constant 1008 : i32
            %min3A_318 = arith.minsi %add3A_316, %min3A_317 : i32
            %ge3A_319 = arith.cmpf oge, %get3A_110, %get3A_16 : vector<16xf32>
            %min3A_320 = arith.constant 1008 : i32
            %min3A_321 = arith.minsi %min3A_318, %min3A_320 : i32
            %swap3A_322 = arith.index_cast %min3A_321 : i32 to index
            %swap3A_323 = tpu.vector_load %arg8[%swap3A_322] masked %ge3A_319 {strides = array<i32>} : memref<1024xf32, #tpu.memory_space<vmem>>, vector<16xf32>, vector<16xi1>
            tpu.vector_store %arg8[%swap3A_322], %get3A_110 masked %ge3A_319 {strides = array<i32>} : memref<1024xf32, #tpu.memory_space<vmem>>, vector<16xf32>, vector<16xi1>
            %mul3A_324 = arith.constant 12544 : i32
            %mul3A_325 = arith.muli %scan3A_50, %mul3A_324 : i32
            %mul3A_326 = arith.constant 128 : i32
            %mul3A_327 = arith.muli %scan3A_61, %mul3A_326 : i32
            %add3A_328 = arith.addi %mul3A_325, %mul3A_327 : i32
            %add3A_329 = arith.constant 112 : i32
            %add3A_330 = arith.addi %add3A_328, %add3A_329 : i32
            %add3A_331 = vector.broadcast %add3A_330 : i32 to vector<16xi32>
            %add3A_332 = arith.addi %iota3A, %add3A_331 : vector<16xi32>
            %swap3A_333 = arith.index_cast %min3A_321 : i32 to index
            %swap3A_334 = tpu.vector_load %arg9[%swap3A_333] masked %ge3A_319 {strides = array<i32>} : memref<1024xi32, #tpu.memory_space<vmem>>, vector<16xi32>, vector<16xi1>
            tpu.vector_store %arg9[%swap3A_333], %add3A_332 masked %ge3A_319 {strides = array<i32>} : memref<1024xi32, #tpu.memory_space<vmem>>, vector<16xi32>, vector<16xi1>
            %jit3A_335 = arith.constant 1 : i32
            %jit3A_336 = arith.constant 0 : i32
            %broadcast_in_dim3A_337 = vector.broadcast %jit3A_335 : i32 to vector<16xi32>
            %broadcast_in_dim3A_338 = vector.broadcast %jit3A_336 : i32 to vector<16xi32>
            %select_n3A_339 = arith.select %ge3A_319, %broadcast_in_dim3A_337, %broadcast_in_dim3A_338 : vector<16xi1>, vector<16xi32>
            %reduce_sum3A_340 = arith.constant true
            %reduce_sum3A_341 = vector.broadcast %reduce_sum3A_340 : i1 to vector<16xi1>
            %reduce_sum3A_342 = tpu.scan <sum>, %select_n3A_339 masked %reduce_sum3A_341 : vector<16xi32>, vector<16xi1> -> vector<16xi32>
            %reduce_sum3A_343 = vector.extract %reduce_sum3A_342[15] : i32 from vector<16xi32>
            %add3A_344 = arith.addi %min3A_318, %reduce_sum3A_343 : i32
            %min3A_345 = arith.constant 1008 : i32
            %min3A_346 = arith.minsi %add3A_344, %min3A_345 : i32
            scf.yield %min3A_346 : i32
          } else {
            scf.yield %scan3A_62 : i32
          }
          scf.yield %cond3A_124 : i32
        }
        %scan3A_60 = arith.constant 98 : i32
        scf.yield %scan3A_59 : i32
      }
      %scan3A_23 = arith.constant 8 : i32
      %scan3A_24 = arith.constant 0 : i32
      %scan3A_25 = arith.constant 0 : i32
      %scan3A_26 = arith.constant 6 : i32
      %scan3A_27 = arith.addi %scan3A_25, %scan3A_26 : i32
      %scan3A_28 = arith.constant 1 : i32
      %scan3A_29 = scf.for %scan3A_50 = %scan3A_25 to %scan3A_27 step %scan3A_28 iter_args(%scan3A_51 = %scan3A_24) -> (i32)  : i32 {
        %mul3A_52 = arith.constant 0 : i32
        %mul3A_53 = vector.broadcast %mul3A_52 : i32 to vector<16xi32>
        %mul3A_54 = arith.muli %iota3A, %mul3A_53 : vector<16xi32>
        %mul3A_55 = arith.constant 16 : i32
        %mul3A_56 = arith.muli %scan3A_50, %mul3A_55 : i32
        %swap3A = arith.index_cast %mul3A_56 : i32 to index
        %swap3A_57 = tpu.vector_load %arg10[%swap3A] {strides = array<i32>} : memref<96xi32, #tpu.memory_space<vmem>>, vector<16xi32>,
        tpu.vector_store %arg10[%swap3A], %mul3A_54 {strides = array<i32>} : memref<96xi32, #tpu.memory_space<vmem>>, vector<16xi32>,
        %scan3A_58 = arith.constant 0 : i32
        scf.yield %scan3A_58 : i32
      }
      %scan3A_30 = arith.constant 6 : i32
      %add3A_31 = arith.constant 15 : i32
      %add3A_32 = arith.addi %scan3A_22, %add3A_31 : i32
      %shift_right_arithmetic3A = arith.constant 4 : i32
      %shift_right_arithmetic3A_33 = arith.shrsi %add3A_32, %shift_right_arithmetic3A : i32
      %while3A = arith.constant 0 : i32
      %while3A_34 = arith.constant 0 : i32
      %while3A_35 = arith.subi %shift_right_arithmetic3A_33, %while3A : i32
      %while3A_36 = arith.addi %while3A, %while3A_35 : i32
      %while3A_37 = arith.constant 1 : i32
      %while3A_38 = arith.divsi %while3A_35, %while3A_37 : i32
      %while3A_39 = arith.muli %while3A_38, %while3A_37 : i32
      %while3A_40 = arith.addi %while3A, %while3A_39 : i32
      %while3A_41 = arith.constant 1 : i32
      %while3A_42 = scf.for %while3A_50 = %while3A to %while3A_40 step %while3A_41 iter_args(%while3A_51 = %while3A_34) -> (i32)  : i32 {
        %mul3A_52 = arith.constant 16 : i32
        %mul3A_53 = arith.muli %while3A_50, %mul3A_52 : i32
        %get3A_54 = arith.index_cast %mul3A_53 : i32 to index
        %get3A_55 = tpu.vector_load %arg8[%get3A_54] {strides = array<i32>} : memref<1024xf32, #tpu.memory_space<vmem>>, vector<16xf32>,
        %mul3A_56 = arith.constant 16 : i32
        %mul3A_57 = arith.muli %while3A_50, %mul3A_56 : i32
        %get3A_58 = arith.index_cast %mul3A_57 : i32 to index
        %get3A_59 = tpu.vector_load %arg9[%get3A_58] {strides = array<i32>} : memref<1024xi32, #tpu.memory_space<vmem>>, vector<16xi32>,
        %mul3A_60 = arith.constant 16 : i32
        %mul3A_61 = arith.muli %while3A_50, %mul3A_60 : i32
        %add3A_62 = vector.broadcast %mul3A_61 : i32 to vector<16xi32>
        %add3A_63 = arith.addi %iota3A, %add3A_62 : vector<16xi32>
        %lt3A = vector.broadcast %scan3A_22 : i32 to vector<16xi32>
        %lt3A_64 = arith.cmpi slt, %add3A_63, %lt3A : vector<16xi32>
        %broadcast_in_dim3A = arith.constant 0 : i32
        %broadcast_in_dim3A_65 = vector.broadcast %broadcast_in_dim3A : i32 to vector<16xi32>
        %while3A_66 = arith.constant 0 : i32
        %while3A_67 = arith.subi %scan3A_22, %while3A_66 : i32
        %while3A_68 = arith.addi %while3A_66, %while3A_67 : i32
        %while3A_69 = arith.constant 1 : i32
        %while3A_70 = arith.divsi %while3A_67, %while3A_69 : i32
        %while3A_71 = arith.muli %while3A_70, %while3A_69 : i32
        %while3A_72 = arith.addi %while3A_66, %while3A_71 : i32
        %while3A_73 = arith.constant 1 : i32
        %while3A_74 = scf.for %while3A_86 = %while3A_66 to %while3A_72 step %while3A_73 iter_args(%while3A_87 = %broadcast_in_dim3A_65) -> (vector<16xi32>)  : i32 {
          %mul3A_88 = arith.constant 0 : i32
          %mul3A_89 = vector.broadcast %mul3A_88 : i32 to vector<16xi32>
          %mul3A_90 = arith.muli %iota3A, %mul3A_89 : vector<16xi32>
          %add3A_91 = vector.broadcast %while3A_86 : i32 to vector<16xi32>
          %add3A_92 = arith.addi %mul3A_90, %add3A_91 : vector<16xi32>
          %gather3A = tpu.vector_load_idx %arg8[%add3A_92] : memref<1024xf32, #tpu.memory_space<vmem>>[vector<16xi32>], vector<16xf32>,
          %gather3A_93 = tpu.vector_load_idx %arg9[%add3A_92] : memref<1024xi32, #tpu.memory_space<vmem>>[vector<16xi32>], vector<16xi32>,
          %gt3A = arith.cmpf ogt, %gather3A, %get3A_55 : vector<16xf32>
          %eq3A = arith.cmpf oeq, %gather3A, %get3A_55 : vector<16xf32>
          %lt3A_94 = arith.cmpi slt, %gather3A_93, %get3A_59 : vector<16xi32>
          %and3A_95 = arith.andi %eq3A, %lt3A_94 : vector<16xi1>
          %or3A = arith.ori %gt3A, %and3A_95 : vector<16xi1>
          %jit3A_96 = arith.constant 1 : i32
          %jit3A_97 = arith.constant 0 : i32
          %broadcast_in_dim3A_98 = vector.broadcast %jit3A_96 : i32 to vector<16xi32>
          %broadcast_in_dim3A_99 = vector.broadcast %jit3A_97 : i32 to vector<16xi32>
          %select_n3A_100 = arith.select %or3A, %broadcast_in_dim3A_98, %broadcast_in_dim3A_99 : vector<16xi1>, vector<16xi32>
          %add3A_101 = arith.addi %while3A_87, %select_n3A_100 : vector<16xi32>
          scf.yield %add3A_101 : vector<16xi32>
        }
        %while3A_75 = arith.constant 1 : i32
        %while3A_76 = scf.for %while3A_86 = %while3A_72 to %while3A_68 step %while3A_75 iter_args(%while3A_87 = %while3A_74) -> (vector<16xi32>)  : i32 {
          %mul3A_88 = arith.constant 0 : i32
          %mul3A_89 = vector.broadcast %mul3A_88 : i32 to vector<16xi32>
          %mul3A_90 = arith.muli %iota3A, %mul3A_89 : vector<16xi32>
          %add3A_91 = vector.broadcast %while3A_86 : i32 to vector<16xi32>
          %add3A_92 = arith.addi %mul3A_90, %add3A_91 : vector<16xi32>
          %gather3A = tpu.vector_load_idx %arg8[%add3A_92] : memref<1024xf32, #tpu.memory_space<vmem>>[vector<16xi32>], vector<16xf32>,
          %gather3A_93 = tpu.vector_load_idx %arg9[%add3A_92] : memref<1024xi32, #tpu.memory_space<vmem>>[vector<16xi32>], vector<16xi32>,
          %gt3A = arith.cmpf ogt, %gather3A, %get3A_55 : vector<16xf32>
          %eq3A = arith.cmpf oeq, %gather3A, %get3A_55 : vector<16xf32>
          %lt3A_94 = arith.cmpi slt, %gather3A_93, %get3A_59 : vector<16xi32>
          %and3A_95 = arith.andi %eq3A, %lt3A_94 : vector<16xi1>
          %or3A = arith.ori %gt3A, %and3A_95 : vector<16xi1>
          %jit3A_96 = arith.constant 1 : i32
          %jit3A_97 = arith.constant 0 : i32
          %broadcast_in_dim3A_98 = vector.broadcast %jit3A_96 : i32 to vector<16xi32>
          %broadcast_in_dim3A_99 = vector.broadcast %jit3A_97 : i32 to vector<16xi32>
          %select_n3A_100 = arith.select %or3A, %broadcast_in_dim3A_98, %broadcast_in_dim3A_99 : vector<16xi1>, vector<16xi32>
          %add3A_101 = arith.addi %while3A_87, %select_n3A_100 : vector<16xi32>
          scf.yield %add3A_101 : vector<16xi32>
        }
        %lt3A_77 = arith.constant 80 : i32
        %lt3A_78 = vector.broadcast %lt3A_77 : i32 to vector<16xi32>
        %lt3A_79 = arith.cmpi slt, %while3A_76, %lt3A_78 : vector<16xi32>
        %and3A = arith.andi %lt3A_64, %lt3A_79 : vector<16xi1>
        %add3A_80 = arith.constant 80 : i32
        %add3A_81 = vector.broadcast %add3A_80 : i32 to vector<16xi32>
        %add3A_82 = arith.addi %add3A_81, %iota3A : vector<16xi32>
        %select_n3A = arith.select %and3A, %while3A_76, %add3A_82 : vector<16xi1>, vector<16xi32>
        %jit3A = arith.constant 0 : i32
        %broadcast_in_dim3A_83 = vector.broadcast %jit3A : i32 to vector<16xi32>
        %select_n3A_84 = arith.select %and3A, %get3A_59, %broadcast_in_dim3A_83 : vector<16xi1>, vector<16xi32>
        tpu.vector_store_idx %arg10[%select_n3A], %select_n3A_84 : memref<96xi32, #tpu.memory_space<vmem>>[vector<16xi32>], vector<16xi32>,
        %while3A_85 = arith.constant 0 : i32
        scf.yield %while3A_85 : i32
      }
      %while3A_43 = arith.constant 1 : i32
      %while3A_44 = scf.for %while3A_50 = %while3A_40 to %while3A_36 step %while3A_43 iter_args(%while3A_51 = %while3A_42) -> (i32)  : i32 {
        %mul3A_52 = arith.constant 16 : i32
        %mul3A_53 = arith.muli %while3A_50, %mul3A_52 : i32
        %get3A_54 = arith.index_cast %mul3A_53 : i32 to index
        %get3A_55 = tpu.vector_load %arg8[%get3A_54] {strides = array<i32>} : memref<1024xf32, #tpu.memory_space<vmem>>, vector<16xf32>,
        %mul3A_56 = arith.constant 16 : i32
        %mul3A_57 = arith.muli %while3A_50, %mul3A_56 : i32
        %get3A_58 = arith.index_cast %mul3A_57 : i32 to index
        %get3A_59 = tpu.vector_load %arg9[%get3A_58] {strides = array<i32>} : memref<1024xi32, #tpu.memory_space<vmem>>, vector<16xi32>,
        %mul3A_60 = arith.constant 16 : i32
        %mul3A_61 = arith.muli %while3A_50, %mul3A_60 : i32
        %add3A_62 = vector.broadcast %mul3A_61 : i32 to vector<16xi32>
        %add3A_63 = arith.addi %iota3A, %add3A_62 : vector<16xi32>
        %lt3A = vector.broadcast %scan3A_22 : i32 to vector<16xi32>
        %lt3A_64 = arith.cmpi slt, %add3A_63, %lt3A : vector<16xi32>
        %broadcast_in_dim3A = arith.constant 0 : i32
        %broadcast_in_dim3A_65 = vector.broadcast %broadcast_in_dim3A : i32 to vector<16xi32>
        %while3A_66 = arith.constant 0 : i32
        %while3A_67 = arith.subi %scan3A_22, %while3A_66 : i32
        %while3A_68 = arith.addi %while3A_66, %while3A_67 : i32
        %while3A_69 = arith.constant 1 : i32
        %while3A_70 = arith.divsi %while3A_67, %while3A_69 : i32
        %while3A_71 = arith.muli %while3A_70, %while3A_69 : i32
        %while3A_72 = arith.addi %while3A_66, %while3A_71 : i32
        %while3A_73 = arith.constant 1 : i32
        %while3A_74 = scf.for %while3A_86 = %while3A_66 to %while3A_72 step %while3A_73 iter_args(%while3A_87 = %broadcast_in_dim3A_65) -> (vector<16xi32>)  : i32 {
          %mul3A_88 = arith.constant 0 : i32
          %mul3A_89 = vector.broadcast %mul3A_88 : i32 to vector<16xi32>
          %mul3A_90 = arith.muli %iota3A, %mul3A_89 : vector<16xi32>
          %add3A_91 = vector.broadcast %while3A_86 : i32 to vector<16xi32>
          %add3A_92 = arith.addi %mul3A_90, %add3A_91 : vector<16xi32>
          %gather3A = tpu.vector_load_idx %arg8[%add3A_92] : memref<1024xf32, #tpu.memory_space<vmem>>[vector<16xi32>], vector<16xf32>,
          %gather3A_93 = tpu.vector_load_idx %arg9[%add3A_92] : memref<1024xi32, #tpu.memory_space<vmem>>[vector<16xi32>], vector<16xi32>,
          %gt3A = arith.cmpf ogt, %gather3A, %get3A_55 : vector<16xf32>
          %eq3A = arith.cmpf oeq, %gather3A, %get3A_55 : vector<16xf32>
          %lt3A_94 = arith.cmpi slt, %gather3A_93, %get3A_59 : vector<16xi32>
          %and3A_95 = arith.andi %eq3A, %lt3A_94 : vector<16xi1>
          %or3A = arith.ori %gt3A, %and3A_95 : vector<16xi1>
          %jit3A_96 = arith.constant 1 : i32
          %jit3A_97 = arith.constant 0 : i32
          %broadcast_in_dim3A_98 = vector.broadcast %jit3A_96 : i32 to vector<16xi32>
          %broadcast_in_dim3A_99 = vector.broadcast %jit3A_97 : i32 to vector<16xi32>
          %select_n3A_100 = arith.select %or3A, %broadcast_in_dim3A_98, %broadcast_in_dim3A_99 : vector<16xi1>, vector<16xi32>
          %add3A_101 = arith.addi %while3A_87, %select_n3A_100 : vector<16xi32>
          scf.yield %add3A_101 : vector<16xi32>
        }
        %while3A_75 = arith.constant 1 : i32
        %while3A_76 = scf.for %while3A_86 = %while3A_72 to %while3A_68 step %while3A_75 iter_args(%while3A_87 = %while3A_74) -> (vector<16xi32>)  : i32 {
          %mul3A_88 = arith.constant 0 : i32
          %mul3A_89 = vector.broadcast %mul3A_88 : i32 to vector<16xi32>
          %mul3A_90 = arith.muli %iota3A, %mul3A_89 : vector<16xi32>
          %add3A_91 = vector.broadcast %while3A_86 : i32 to vector<16xi32>
          %add3A_92 = arith.addi %mul3A_90, %add3A_91 : vector<16xi32>
          %gather3A = tpu.vector_load_idx %arg8[%add3A_92] : memref<1024xf32, #tpu.memory_space<vmem>>[vector<16xi32>], vector<16xf32>,
          %gather3A_93 = tpu.vector_load_idx %arg9[%add3A_92] : memref<1024xi32, #tpu.memory_space<vmem>>[vector<16xi32>], vector<16xi32>,
          %gt3A = arith.cmpf ogt, %gather3A, %get3A_55 : vector<16xf32>
          %eq3A = arith.cmpf oeq, %gather3A, %get3A_55 : vector<16xf32>
          %lt3A_94 = arith.cmpi slt, %gather3A_93, %get3A_59 : vector<16xi32>
          %and3A_95 = arith.andi %eq3A, %lt3A_94 : vector<16xi1>
          %or3A = arith.ori %gt3A, %and3A_95 : vector<16xi1>
          %jit3A_96 = arith.constant 1 : i32
          %jit3A_97 = arith.constant 0 : i32
          %broadcast_in_dim3A_98 = vector.broadcast %jit3A_96 : i32 to vector<16xi32>
          %broadcast_in_dim3A_99 = vector.broadcast %jit3A_97 : i32 to vector<16xi32>
          %select_n3A_100 = arith.select %or3A, %broadcast_in_dim3A_98, %broadcast_in_dim3A_99 : vector<16xi1>, vector<16xi32>
          %add3A_101 = arith.addi %while3A_87, %select_n3A_100 : vector<16xi32>
          scf.yield %add3A_101 : vector<16xi32>
        }
        %lt3A_77 = arith.constant 80 : i32
        %lt3A_78 = vector.broadcast %lt3A_77 : i32 to vector<16xi32>
        %lt3A_79 = arith.cmpi slt, %while3A_76, %lt3A_78 : vector<16xi32>
        %and3A = arith.andi %lt3A_64, %lt3A_79 : vector<16xi1>
        %add3A_80 = arith.constant 80 : i32
        %add3A_81 = vector.broadcast %add3A_80 : i32 to vector<16xi32>
        %add3A_82 = arith.addi %add3A_81, %iota3A : vector<16xi32>
        %select_n3A = arith.select %and3A, %while3A_76, %add3A_82 : vector<16xi1>, vector<16xi32>
        %jit3A = arith.constant 0 : i32
        %broadcast_in_dim3A_83 = vector.broadcast %jit3A : i32 to vector<16xi32>
        %select_n3A_84 = arith.select %and3A, %get3A_59, %broadcast_in_dim3A_83 : vector<16xi1>, vector<16xi32>
        tpu.vector_store_idx %arg10[%select_n3A], %select_n3A_84 : memref<96xi32, #tpu.memory_space<vmem>>[vector<16xi32>], vector<16xi32>,
        %while3A_85 = arith.constant 0 : i32
        scf.yield %while3A_85 : i32
      }
      %dma_start3A = arith.constant 0 : i32
      %dma_start3A_45 = arith.constant 0 : i32
      %dma_start3A_46 = tpu.memref_slice %arg4[%dma_start3A, %dma_start3A_45] : memref<100000x768xf32, #tpu.memory_space<hbm>> -> memref<100000x768xf32, #tpu.memory_space<hbm>>
      tpu.enqueue_indirect_dma source(%dma_start3A_46 : memref<100000x768xf32, #tpu.memory_space<hbm>>) target(%arg11 : memref<96x768xf32, #tpu.memory_space<vmem>>) offsets(%arg10 : memref<96xi32, #tpu.memory_space<vmem>>) semaphore(%arg12 : memref<!tpu.dma_semaphore, #tpu.memory_space<semaphore_mem>>)
      %dma_wait3A = arith.constant 0 : i32
      %dma_wait3A_47 = arith.constant 0 : i32
      %dma_wait3A_48 = tpu.memref_slice %arg4[%dma_wait3A, %dma_wait3A_47] : memref<100000x768xf32, #tpu.memory_space<hbm>> -> memref<100000x768xf32, #tpu.memory_space<hbm>>
      tpu.wait_indirect_dma semaphore(%arg12 : memref<!tpu.dma_semaphore, #tpu.memory_space<semaphore_mem>>) src(%dma_wait3A_48 : memref<100000x768xf32, #tpu.memory_space<hbm>>) dst(%arg11 : memref<96x768xf32, #tpu.memory_space<vmem>>)
      "tpu.region"() ({
        %run_scoped3A = tpu.sem_alloc : memref<!tpu.dma_semaphore, #tpu.memory_space<semaphore_mem>>
        %dma_start3A_50 = arith.constant 0 : i32
        %dma_start3A_51 = arith.constant 0 : i32
        %dma_start3A_52 = tpu.memref_slice %arg11[%dma_start3A_50, %dma_start3A_51] : memref<96x768xf32, #tpu.memory_space<vmem>> -> memref<80x768xf32, #tpu.memory_space<vmem>>
        %dma_start3A_53 = arith.constant 0 : i32
        %dma_start3A_54 = arith.constant 0 : i32
        %dma_start3A_55 = tpu.memref_slice %arg5[%add3A_11, %dma_start3A_53, %dma_start3A_54] : memref<64x80x768xf32, #tpu.memory_space<hbm>> -> memref<1x80x768xf32, #tpu.memory_space<hbm>>
        %dma_start3A_56 = tpu.memref_squeeze %dma_start3A_55 : memref<1x80x768xf32, #tpu.memory_space<hbm>> -> memref<80x768xf32, #tpu.memory_space<hbm>>
        %dma_start3A_57 = arith.constant 0 : i32
        %dma_start3A_58 = arith.constant 0 : i32
        %dma_start3A_59 = tpu.memref_slice %arg5[%add3A_11, %dma_start3A_57, %dma_start3A_58] : memref<64x80x768xf32, #tpu.memory_space<hbm>> -> memref<1x80x768xf32, #tpu.memory_space<hbm>>
        %dma_start3A_60 = tpu.memref_squeeze %dma_start3A_59 : memref<1x80x768xf32, #tpu.memory_space<hbm>> -> memref<80x768xf32, #tpu.memory_space<hbm>>
        %dma_start3A_61 = arith.constant 0 : i32
        %dma_start3A_62 = arith.constant 0 : i32
        %dma_start3A_63 = tpu.memref_slice %arg11[%dma_start3A_61, %dma_start3A_62] : memref<96x768xf32, #tpu.memory_space<vmem>> -> memref<80x768xf32, #tpu.memory_space<vmem>>
        tpu.enqueue_dma source(%dma_start3A_63 : memref<80x768xf32, #tpu.memory_space<vmem>>) target(%dma_start3A_60 : memref<80x768xf32, #tpu.memory_space<hbm>>) target_semaphore(%run_scoped3A : memref<!tpu.dma_semaphore, #tpu.memory_space<semaphore_mem>>)
        %dma_wait3A_64 = arith.constant 0 : i32
        %dma_wait3A_65 = arith.constant 0 : i32
        %dma_wait3A_66 = tpu.memref_slice %arg11[%dma_wait3A_64, %dma_wait3A_65] : memref<96x768xf32, #tpu.memory_space<vmem>> -> memref<80x768xf32, #tpu.memory_space<vmem>>
        %dma_wait3A_67 = arith.constant 0 : i32
        %dma_wait3A_68 = arith.constant 0 : i32
        %dma_wait3A_69 = tpu.memref_slice %arg5[%add3A_11, %dma_wait3A_67, %dma_wait3A_68] : memref<64x80x768xf32, #tpu.memory_space<hbm>> -> memref<1x80x768xf32, #tpu.memory_space<hbm>>
        %dma_wait3A_70 = tpu.memref_squeeze %dma_wait3A_69 : memref<1x80x768xf32, #tpu.memory_space<hbm>> -> memref<80x768xf32, #tpu.memory_space<hbm>>
        %dma_wait3A_71 = arith.constant 0 : i32
        %dma_wait3A_72 = arith.constant 0 : i32
        %dma_wait3A_73 = tpu.memref_slice %arg5[%add3A_11, %dma_wait3A_71, %dma_wait3A_72] : memref<64x80x768xf32, #tpu.memory_space<hbm>> -> memref<1x80x768xf32, #tpu.memory_space<hbm>>
        %dma_wait3A_74 = tpu.memref_squeeze %dma_wait3A_73 : memref<1x80x768xf32, #tpu.memory_space<hbm>> -> memref<80x768xf32, #tpu.memory_space<hbm>>
        %dma_wait3A_75 = arith.constant 0 : i32
        %dma_wait3A_76 = arith.constant 0 : i32
        %dma_wait3A_77 = tpu.memref_slice %arg11[%dma_wait3A_75, %dma_wait3A_76] : memref<96x768xf32, #tpu.memory_space<vmem>> -> memref<80x768xf32, #tpu.memory_space<vmem>>
        tpu.wait_dma2 semaphore(%run_scoped3A : memref<!tpu.dma_semaphore, #tpu.memory_space<semaphore_mem>>) src(%dma_wait3A_77 : memref<80x768xf32, #tpu.memory_space<vmem>>) dst(%dma_wait3A_74 : memref<80x768xf32, #tpu.memory_space<hbm>>)
        tpu.yield
      }) : () -> ()
      %scan3A_49 = arith.constant 0 : i32
      scf.yield %scan3A_49 : i32
    }
    %scan3A_6 = arith.constant 2 : i32
    return
  }
}

module attributes {stable_mosaic.version = 14 : i64} {
  func.func @_mlp_a_body(%arg0: memref<64x3072xf32, #tpu.memory_space<vmem>>, %arg1: memref<2304x3072xf32, #tpu.memory_space<vmem>>, %arg2: memref<1x2304xf32, #tpu.memory_space<vmem>>, %arg3: memref<1700x2304xf32, #tpu.memory_space<vmem>>, %arg4: memref<1x1700xf32, #tpu.memory_space<vmem>>, %arg5: memref<64x1700xf32, #tpu.memory_space<vmem>>) attributes {dimension_semantics = [], scalar_prefetch = 0 : i64, scratch_operands = 0 : i64, tpu.core_type = #tpu.core_type<tc>} {
    %get3A = arith.constant 0 : index
    %get3A_0 = arith.constant 0 : index
    %get3A_1 = vector.load %arg0[%get3A, %get3A_0] : memref<64x3072xf32, #tpu.memory_space<vmem>>, vector<64x3072xf32>
    %get3A_2 = arith.constant 0 : index
    %get3A_3 = arith.constant 0 : index
    %get3A_4 = vector.load %arg1[%get3A_2, %get3A_3] : memref<2304x3072xf32, #tpu.memory_space<vmem>>, vector<2304x3072xf32>
    %dot_general3A = arith.constant dense<0.000000e+00> : vector<64x2304xf32>
    %dot_general3A_5 = tpu.matmul %get3A_1, %get3A_4, %dot_general3A {dimension_numbers = #tpu.dot_dimension_numbers<[1], [1], [0], [0], [0, 0, 1, 0], [], []>, transpose_lhs_hint = false} : vector<64x3072xf32>, vector<2304x3072xf32>, vector<64x2304xf32> -> vector<64x2304xf32>
    %get3A_6 = arith.constant 0 : index
    %get3A_7 = arith.constant 0 : index
    %get3A_8 = vector.load %arg2[%get3A_6, %get3A_7] : memref<1x2304xf32, #tpu.memory_space<vmem>>, vector<1x2304xf32>
    %add3A = vector.broadcast %get3A_8 : vector<1x2304xf32> to vector<64x2304xf32>
    %add3A_9 = arith.addf %dot_general3A_5, %add3A : vector<64x2304xf32>
    %tanh3A = math.tanh %add3A_9 : vector<64x2304xf32>
    %get3A_10 = arith.constant 0 : index
    %get3A_11 = arith.constant 0 : index
    %get3A_12 = vector.load %arg3[%get3A_10, %get3A_11] : memref<1700x2304xf32, #tpu.memory_space<vmem>>, vector<1700x2304xf32>
    %dot_general3A_13 = arith.constant dense<0.000000e+00> : vector<64x1700xf32>
    %dot_general3A_14 = tpu.matmul %tanh3A, %get3A_12, %dot_general3A_13 {dimension_numbers = #tpu.dot_dimension_numbers<[1], [1], [0], [0], [0, 0, 1, 0], [], []>, transpose_lhs_hint = false} : vector<64x2304xf32>, vector<1700x2304xf32>, vector<64x1700xf32> -> vector<64x1700xf32>
    %get3A_15 = arith.constant 0 : index
    %get3A_16 = arith.constant 0 : index
    %get3A_17 = vector.load %arg4[%get3A_15, %get3A_16] : memref<1x1700xf32, #tpu.memory_space<vmem>>, vector<1x1700xf32>
    %add3A_18 = vector.broadcast %get3A_17 : vector<1x1700xf32> to vector<64x1700xf32>
    %add3A_19 = arith.addf %dot_general3A_14, %add3A_18 : vector<64x1700xf32>
    %tanh3A_20 = math.tanh %add3A_19 : vector<64x1700xf32>
    %swap3A = arith.constant 0 : index
    %swap3A_21 = arith.constant 0 : index
    %swap3A_22 = vector.load %arg5[%swap3A, %swap3A_21] : memref<64x1700xf32, #tpu.memory_space<vmem>>, vector<64x1700xf32>
    tpu.vector_store %arg5[%swap3A, %swap3A_21], %tanh3A_20 {strides = array<i32>} : memref<64x1700xf32, #tpu.memory_space<vmem>>, vector<64x1700xf32>,
    return
  }
}

module attributes {stable_mosaic.version = 14 : i64} {
  func.func @_mlp_b_body(%arg0: memref<64x1700xf32, #tpu.memory_space<vmem>>, %arg1: memref<1000x1700xf32, #tpu.memory_space<vmem>>, %arg2: memref<1x1000xf32, #tpu.memory_space<vmem>>, %arg3: memref<768x1000xf32, #tpu.memory_space<vmem>>, %arg4: memref<1x768xf32, #tpu.memory_space<vmem>>, %arg5: memref<64x768xf32, #tpu.memory_space<vmem>>) attributes {dimension_semantics = [], scalar_prefetch = 0 : i64, scratch_operands = 0 : i64, tpu.core_type = #tpu.core_type<tc>} {
    %get3A = arith.constant 0 : index
    %get3A_0 = arith.constant 0 : index
    %get3A_1 = vector.load %arg0[%get3A, %get3A_0] : memref<64x1700xf32, #tpu.memory_space<vmem>>, vector<64x1700xf32>
    %get3A_2 = arith.constant 0 : index
    %get3A_3 = arith.constant 0 : index
    %get3A_4 = vector.load %arg1[%get3A_2, %get3A_3] : memref<1000x1700xf32, #tpu.memory_space<vmem>>, vector<1000x1700xf32>
    %dot_general3A = arith.constant dense<0.000000e+00> : vector<64x1000xf32>
    %dot_general3A_5 = tpu.matmul %get3A_1, %get3A_4, %dot_general3A {dimension_numbers = #tpu.dot_dimension_numbers<[1], [1], [0], [0], [0, 0, 1, 0], [], []>, transpose_lhs_hint = false} : vector<64x1700xf32>, vector<1000x1700xf32>, vector<64x1000xf32> -> vector<64x1000xf32>
    %get3A_6 = arith.constant 0 : index
    %get3A_7 = arith.constant 0 : index
    %get3A_8 = vector.load %arg2[%get3A_6, %get3A_7] : memref<1x1000xf32, #tpu.memory_space<vmem>>, vector<1x1000xf32>
    %add3A = vector.broadcast %get3A_8 : vector<1x1000xf32> to vector<64x1000xf32>
    %add3A_9 = arith.addf %dot_general3A_5, %add3A : vector<64x1000xf32>
    %tanh3A = math.tanh %add3A_9 : vector<64x1000xf32>
    %get3A_10 = arith.constant 0 : index
    %get3A_11 = arith.constant 0 : index
    %get3A_12 = vector.load %arg3[%get3A_10, %get3A_11] : memref<768x1000xf32, #tpu.memory_space<vmem>>, vector<768x1000xf32>
    %dot_general3A_13 = arith.constant dense<0.000000e+00> : vector<64x768xf32>
    %dot_general3A_14 = tpu.matmul %tanh3A, %get3A_12, %dot_general3A_13 {dimension_numbers = #tpu.dot_dimension_numbers<[1], [1], [0], [0], [0, 0, 1, 0], [], []>, transpose_lhs_hint = false} : vector<64x1000xf32>, vector<768x1000xf32>, vector<64x768xf32> -> vector<64x768xf32>
    %get3A_15 = arith.constant 0 : index
    %get3A_16 = arith.constant 0 : index
    %get3A_17 = vector.load %arg4[%get3A_15, %get3A_16] : memref<1x768xf32, #tpu.memory_space<vmem>>, vector<1x768xf32>
    %add3A_18 = vector.broadcast %get3A_17 : vector<1x768xf32> to vector<64x768xf32>
    %add3A_19 = arith.addf %dot_general3A_14, %add3A_18 : vector<64x768xf32>
    %mul3A = arith.mulf %add3A_19, %add3A_19 : vector<64x768xf32>
    %reduce_sum3A = arith.constant dense<0.000000e+00> : vector<64xf32>
    %reduce_sum3A_20 = vector.multi_reduction <add>, %mul3A, %reduce_sum3A [1] : vector<64x768xf32> to vector<64xf32>
    %broadcast_in_dim3A = vector.shape_cast %reduce_sum3A_20 : vector<64xf32> to vector<64x1xf32>
    %sqrt3A = math.sqrt %broadcast_in_dim3A : vector<64x1xf32>
    %max3A = arith.constant 9.99999996E-13 : f32
    %max3A_21 = vector.broadcast %max3A : f32 to vector<64x1xf32>
    %max3A_22 = arith.maximumf %sqrt3A, %max3A_21 : vector<64x1xf32>
    %div3A = vector.broadcast %max3A_22 : vector<64x1xf32> to vector<64x768xf32>
    %div3A_23 = arith.divf %add3A_19, %div3A : vector<64x768xf32>
    %swap3A = arith.constant 0 : index
    %swap3A_24 = arith.constant 0 : index
    %swap3A_25 = vector.load %arg5[%swap3A, %swap3A_24] : memref<64x768xf32, #tpu.memory_space<vmem>>, vector<64x768xf32>
    tpu.vector_store %arg5[%swap3A, %swap3A_24], %div3A_23 {strides = array<i32>} : memref<64x768xf32, #tpu.memory_space<vmem>>, vector<64x768xf32>,
    return
  }
}

module attributes {stable_mosaic.version = 14 : i64} {
  func.func @_sims_body(%arg0: i32, %arg1: memref<64x768xf32, #tpu.memory_space<vmem>>, %arg2: memref<1024x768xf32, #tpu.memory_space<vmem>>, %arg3: memref<64x1024xf32, #tpu.memory_space<vmem>>, %arg4: memref<1x64x8xf32, #tpu.memory_space<vmem>>) attributes {dimension_semantics = [#tpu.dimension_semantics<arbitrary>], iteration_bounds = array<i64: 98>, scalar_prefetch = 0 : i64, scratch_operands = 0 : i64, tpu.core_type = #tpu.core_type<tc>, window_params = [{pipeline_mode = #tpu.pipeline_mode<synchronous>, transform_indices = @transform_0, window_bounds = array<i64: 64, 768>}, {transform_indices = @transform_1, window_bounds = array<i64: 1024, 768>}, {transform_indices = @transform_2, window_bounds = array<i64: 64, 1024>}, {transform_indices = @transform_3, window_bounds = array<i64: 1, 64, 8>}]} {
    %get3A = arith.constant 0 : index
    %get3A_0 = arith.constant 0 : index
    %get3A_1 = vector.load %arg2[%get3A, %get3A_0] : memref<1024x768xf32, #tpu.memory_space<vmem>>, vector<1024x768xf32>
    %mul3A = arith.mulf %get3A_1, %get3A_1 : vector<1024x768xf32>
    %reduce_sum3A = arith.constant dense<0.000000e+00> : vector<1024xf32>
    %reduce_sum3A_2 = vector.multi_reduction <add>, %mul3A, %reduce_sum3A [1] : vector<1024x768xf32> to vector<1024xf32>
    %broadcast_in_dim3A = vector.shape_cast %reduce_sum3A_2 : vector<1024xf32> to vector<1024x1xf32>
    %sqrt3A = math.sqrt %broadcast_in_dim3A : vector<1024x1xf32>
    %max3A = arith.constant 9.99999996E-13 : f32
    %max3A_3 = vector.broadcast %max3A : f32 to vector<1024x1xf32>
    %max3A_4 = arith.maximumf %sqrt3A, %max3A_3 : vector<1024x1xf32>
    %div3A = vector.broadcast %max3A_4 : vector<1024x1xf32> to vector<1024x768xf32>
    %div3A_5 = arith.divf %get3A_1, %div3A : vector<1024x768xf32>
    %get3A_6 = arith.constant 0 : index
    %get3A_7 = arith.constant 0 : index
    %get3A_8 = vector.load %arg1[%get3A_6, %get3A_7] : memref<64x768xf32, #tpu.memory_space<vmem>>, vector<64x768xf32>
    %dot_general3A = arith.constant dense<0.000000e+00> : vector<64x1024xf32>
    %dot_general3A_9 = tpu.matmul %get3A_8, %div3A_5, %dot_general3A {dimension_numbers = #tpu.dot_dimension_numbers<[1], [1], [0], [0], [0, 0, 1, 0], [], []>, transpose_lhs_hint = false} : vector<64x768xf32>, vector<1024x768xf32>, vector<64x1024xf32> -> vector<64x1024xf32>
    %mul3A_10 = arith.constant 1024 : i32
    %mul3A_11 = arith.muli %arg0, %mul3A_10 : i32
    %iota3A = tpu.iota {dimensions = array<i32: 1>} : vector<64x1024xi32>
    %add3A = vector.broadcast %mul3A_11 : i32 to vector<64x1024xi32>
    %add3A_12 = arith.addi %add3A, %iota3A : vector<64x1024xi32>
    %lt3A = arith.constant 100000 : i32
    %lt3A_13 = vector.broadcast %lt3A : i32 to vector<64x1024xi32>
    %lt3A_14 = arith.cmpi slt, %add3A_12, %lt3A_13 : vector<64x1024xi32>
    %jit3A = arith.constant 0xFF800000 : f32
    %broadcast_in_dim3A_15 = vector.broadcast %jit3A : f32 to vector<64x1024xf32>
    %select_n3A = arith.select %lt3A_14, %dot_general3A_9, %broadcast_in_dim3A_15 : vector<64x1024xi1>, vector<64x1024xf32>
    %swap3A = arith.constant 0 : index
    %swap3A_16 = arith.constant 0 : index
    %swap3A_17 = vector.load %arg3[%swap3A, %swap3A_16] : memref<64x1024xf32, #tpu.memory_space<vmem>>, vector<64x1024xf32>
    tpu.vector_store %arg3[%swap3A, %swap3A_16], %select_n3A {strides = array<i32>} : memref<64x1024xf32, #tpu.memory_space<vmem>>, vector<64x1024xf32>,
    %reshape3A = vector.shape_cast %select_n3A : vector<64x1024xf32> to vector<64x8x128xf32>
    %reduce_max3A = arith.constant dense<0xFF800000> : vector<64x8xf32>
    %reduce_max3A_18 = vector.multi_reduction <maximumf>, %reshape3A, %reduce_max3A [2] : vector<64x8x128xf32> to vector<64x8xf32>
    %broadcast_in_dim3A_19 = vector.shape_cast %reduce_max3A_18 : vector<64x8xf32> to vector<1x64x8xf32>
    %swap3A_20 = arith.constant 0 : index
    %swap3A_21 = arith.constant 0 : index
    %swap3A_22 = arith.constant 0 : index
    %swap3A_23 = vector.load %arg4[%swap3A_20, %swap3A_21, %swap3A_22] : memref<1x64x8xf32, #tpu.memory_space<vmem>>, vector<1x64x8xf32>
    tpu.vector_store %arg4[%swap3A_20, %swap3A_21, %swap3A_22], %broadcast_in_dim3A_19 {strides = array<i32>} : memref<1x64x8xf32, #tpu.memory_space<vmem>>, vector<1x64x8xf32>,
    return
  }
  func.func @transform_0(%arg0: i32) -> (i32, i32) {
    %c0_i32 = arith.constant 0 : i32
    %c0_i32_0 = arith.constant 0 : i32
    %c0_i32_1 = arith.constant 0 : i32
    return %c0_i32, %c0_i32_0 : i32, i32
  }
  func.func @transform_1(%arg0: i32) -> (i32, i32) {
    %c0_i32 = arith.constant 0 : i32
    %c0_i32_0 = arith.constant 0 : i32
    return %arg0, %c0_i32 : i32, i32
  }
  func.func @transform_2(%arg0: i32) -> (i32, i32) {
    %c0_i32 = arith.constant 0 : i32
    %c0_i32_0 = arith.constant 0 : i32
    return %c0_i32, %arg0 : i32, i32
  }
  func.func @transform_3(%arg0: i32) -> (i32, i32, i32) {
    %c0_i32 = arith.constant 0 : i32
    %c0_i32_0 = arith.constant 0 : i32
    %c0_i32_1 = arith.constant 0 : i32
    return %arg0, %c0_i32, %c0_i32_0 : i32, i32, i32
  }
}

module attributes {stable_mosaic.version = 14 : i64} {
  func.func @_thr_body(%arg0: memref<64x784xf32, #tpu.memory_space<vmem>>, %arg1: memref<64x16xf32, #tpu.memory_space<vmem>>) attributes {dimension_semantics = [], scalar_prefetch = 0 : i64, scratch_operands = 0 : i64, tpu.core_type = #tpu.core_type<tc>} {
    %get3A = arith.constant 0 : index
    %get3A_0 = arith.constant 0 : index
    %get3A_1 = vector.load %arg0[%get3A, %get3A_0] : memref<64x784xf32, #tpu.memory_space<vmem>>, vector<64x784xf32>
    %bitcast_convert_type3A = tpu.bitcast %get3A_1 : vector<64x784xf32> -> vector<64x784xi32>
    %lt3A = arith.constant 0 : i32
    %lt3A_2 = vector.broadcast %lt3A : i32 to vector<64x784xi32>
    %lt3A_3 = arith.cmpi slt, %bitcast_convert_type3A, %lt3A_2 : vector<64x784xi32>
    %xor3A = arith.constant 2147483647 : i32
    %xor3A_4 = vector.broadcast %xor3A : i32 to vector<64x784xi32>
    %xor3A_5 = arith.xori %bitcast_convert_type3A, %xor3A_4 : vector<64x784xi32>
    %select_n3A = arith.select %lt3A_3, %xor3A_5, %bitcast_convert_type3A : vector<64x784xi1>, vector<64x784xi32>
    %broadcast_in_dim3A = arith.constant -2139095042 : i32
    %broadcast_in_dim3A_6 = vector.broadcast %broadcast_in_dim3A : i32 to vector<64x1xi32>
    %broadcast_in_dim3A_7 = arith.constant 2139095041 : i32
    %broadcast_in_dim3A_8 = vector.broadcast %broadcast_in_dim3A_7 : i32 to vector<64x1xi32>
    %scan3A = arith.constant 0 : i32
    %scan3A_9 = arith.constant 32 : i32
    %scan3A_10 = arith.addi %scan3A, %scan3A_9 : i32
    %scan3A_11 = arith.constant 1 : i32
    %scan3A_12:2 = scf.for %scan3A_25 = %scan3A to %scan3A_10 step %scan3A_11 iter_args(%scan3A_26 = %broadcast_in_dim3A_6, %scan3A_27 = %broadcast_in_dim3A_8) -> (vector<64x1xi32>, vector<64x1xi32>)  : i32 {
      %shift_right_arithmetic3A = arith.constant 1 : i32
      %shift_right_arithmetic3A_28 = vector.broadcast %shift_right_arithmetic3A : i32 to vector<64x1xi32>
      %shift_right_arithmetic3A_29 = arith.shrsi %scan3A_26, %shift_right_arithmetic3A_28 : vector<64x1xi32>
      %shift_right_arithmetic3A_30 = arith.constant 1 : i32
      %shift_right_arithmetic3A_31 = vector.broadcast %shift_right_arithmetic3A_30 : i32 to vector<64x1xi32>
      %shift_right_arithmetic3A_32 = arith.shrsi %scan3A_27, %shift_right_arithmetic3A_31 : vector<64x1xi32>
      %add3A = arith.addi %shift_right_arithmetic3A_29, %shift_right_arithmetic3A_32 : vector<64x1xi32>
      %and3A = arith.andi %scan3A_26, %scan3A_27 : vector<64x1xi32>
      %and3A_33 = arith.constant 1 : i32
      %and3A_34 = vector.broadcast %and3A_33 : i32 to vector<64x1xi32>
      %and3A_35 = arith.andi %and3A, %and3A_34 : vector<64x1xi32>
      %add3A_36 = arith.addi %add3A, %and3A_35 : vector<64x1xi32>
      %ge3A = vector.broadcast %add3A_36 : vector<64x1xi32> to vector<64x784xi32>
      %ge3A_37 = arith.cmpi sge, %select_n3A, %ge3A : vector<64x784xi32>
      %convert_element_type3A = arith.extui %ge3A_37 : vector<64x784xi1> to vector<64x784xi32>
      %reduce_sum3A = arith.constant dense<0> : vector<64xi32>
      %reduce_sum3A_38 = vector.multi_reduction <add>, %convert_element_type3A, %reduce_sum3A [1] : vector<64x784xi32> to vector<64xi32>
      %broadcast_in_dim3A_39 = vector.shape_cast %reduce_sum3A_38 : vector<64xi32> to vector<64x1xi32>
      %ge3A_40 = arith.constant 80 : i32
      %ge3A_41 = vector.broadcast %ge3A_40 : i32 to vector<64x1xi32>
      %ge3A_42 = arith.cmpi sge, %broadcast_in_dim3A_39, %ge3A_41 : vector<64x1xi32>
      %select_n3A_43 = arith.select %ge3A_42, %add3A_36, %scan3A_26 : vector<64x1xi1>, vector<64x1xi32>
      %select_n3A_44 = arith.select %ge3A_42, %scan3A_27, %add3A_36 : vector<64x1xi1>, vector<64x1xi32>
      scf.yield %select_n3A_43, %select_n3A_44 : vector<64x1xi32>, vector<64x1xi32>
    }
    %lt3A_13 = arith.constant 0 : i32
    %lt3A_14 = vector.broadcast %lt3A_13 : i32 to vector<64x1xi32>
    %lt3A_15 = arith.cmpi slt, %scan3A_12#0, %lt3A_14 : vector<64x1xi32>
    %xor3A_16 = arith.constant 2147483647 : i32
    %xor3A_17 = vector.broadcast %xor3A_16 : i32 to vector<64x1xi32>
    %xor3A_18 = arith.xori %scan3A_12#0, %xor3A_17 : vector<64x1xi32>
    %select_n3A_19 = arith.select %lt3A_15, %xor3A_18, %scan3A_12#0 : vector<64x1xi1>, vector<64x1xi32>
    %bitcast_convert_type3A_20 = tpu.bitcast %select_n3A_19 : vector<64x1xi32> -> vector<64x1xf32>
    %broadcast_in_dim3A_21 = vector.shape_cast %bitcast_convert_type3A_20 : vector<64x1xf32> to vector<64x1xf32>
    %broadcast_in_dim3A_22 = vector.broadcast %broadcast_in_dim3A_21 : vector<64x1xf32> to vector<64x16xf32>
    %swap3A = arith.constant 0 : index
    %swap3A_23 = arith.constant 0 : index
    %swap3A_24 = vector.load %arg1[%swap3A, %swap3A_23] : memref<64x16xf32, #tpu.memory_space<vmem>>, vector<64x16xf32>
    tpu.vector_store %arg1[%swap3A, %swap3A_23], %broadcast_in_dim3A_22 {strides = array<i32>} : memref<64x16xf32, #tpu.memory_space<vmem>>, vector<64x16xf32>,
    return
  }
}

module attributes {stable_mosaic.version = 14 : i64} {
  func.func @_reward_body(%arg0: i32, %arg1: memref<1x80x768xf32, #tpu.memory_space<vmem>>, %arg2: memref<1x9x768xf32, #tpu.memory_space<vmem>>, %arg3: memref<1x8x768xf32, #tpu.memory_space<vmem>>, %arg4: memref<1x7x768xf32, #tpu.memory_space<vmem>>, %arg5: memref<1x1x768xf32, #tpu.memory_space<vmem>>, %arg6: memref<1x1x768xf32, #tpu.memory_space<vmem>>, %arg7: memref<1x1x768xf32, #tpu.memory_space<vmem>>, %arg8: memref<1x1x768xf32, #tpu.memory_space<vmem>>) attributes {dimension_semantics = [#tpu.dimension_semantics<arbitrary>], iteration_bounds = array<i64: 64>, scalar_prefetch = 0 : i64, scratch_operands = 0 : i64, tpu.core_type = #tpu.core_type<tc>, window_params = [{transform_indices = @transform_0, window_bounds = array<i64: 1, 80, 768>}, {transform_indices = @transform_1, window_bounds = array<i64: 1, 9, 768>}, {transform_indices = @transform_2, window_bounds = array<i64: 1, 8, 768>}, {transform_indices = @transform_3, window_bounds = array<i64: 1, 7, 768>}, {transform_indices = @transform_4, window_bounds = array<i64: 1, 1, 768>}, {transform_indices = @transform_5, window_bounds = array<i64: 1, 1, 768>}, {transform_indices = @transform_6, window_bounds = array<i64: 1, 1, 768>}, {transform_indices = @transform_7, window_bounds = array<i64: 1, 1, 768>}]} {
    %get3A = arith.constant 0 : index
    %get3A_0 = arith.constant 0 : index
    %get3A_1 = arith.constant 0 : index
    %get3A_2 = vector.load %arg1[%get3A, %get3A_0, %get3A_1] : memref<1x80x768xf32, #tpu.memory_space<vmem>>, vector<1x80x768xf32>
    %get3A_3 = vector.shape_cast %get3A_2 : vector<1x80x768xf32> to vector<80x768xf32>
    %mul3A = arith.mulf %get3A_3, %get3A_3 : vector<80x768xf32>
    %reduce_sum3A = arith.constant dense<0.000000e+00> : vector<80xf32>
    %reduce_sum3A_4 = vector.multi_reduction <add>, %mul3A, %reduce_sum3A [1] : vector<80x768xf32> to vector<80xf32>
    %broadcast_in_dim3A = vector.shape_cast %reduce_sum3A_4 : vector<80xf32> to vector<80x1xf32>
    %sqrt3A = math.sqrt %broadcast_in_dim3A : vector<80x1xf32>
    %max3A = arith.constant 9.99999996E-13 : f32
    %max3A_5 = vector.broadcast %max3A : f32 to vector<80x1xf32>
    %max3A_6 = arith.maximumf %sqrt3A, %max3A_5 : vector<80x1xf32>
    %div3A = vector.broadcast %max3A_6 : vector<80x1xf32> to vector<80x768xf32>
    %div3A_7 = arith.divf %get3A_3, %div3A : vector<80x768xf32>
    %get3A_8 = arith.constant 0 : index
    %get3A_9 = arith.constant 0 : index
    %get3A_10 = arith.constant 0 : index
    %get3A_11 = vector.load %arg2[%get3A_8, %get3A_9, %get3A_10] : memref<1x9x768xf32, #tpu.memory_space<vmem>>, vector<1x9x768xf32>
    %get3A_12 = vector.shape_cast %get3A_11 : vector<1x9x768xf32> to vector<9x768xf32>
    %mul3A_13 = arith.mulf %get3A_12, %get3A_12 : vector<9x768xf32>
    %reduce_sum3A_14 = arith.constant dense<0.000000e+00> : vector<9xf32>
    %reduce_sum3A_15 = vector.multi_reduction <add>, %mul3A_13, %reduce_sum3A_14 [1] : vector<9x768xf32> to vector<9xf32>
    %broadcast_in_dim3A_16 = vector.shape_cast %reduce_sum3A_15 : vector<9xf32> to vector<9x1xf32>
    %sqrt3A_17 = math.sqrt %broadcast_in_dim3A_16 : vector<9x1xf32>
    %max3A_18 = arith.constant 9.99999996E-13 : f32
    %max3A_19 = vector.broadcast %max3A_18 : f32 to vector<9x1xf32>
    %max3A_20 = arith.maximumf %sqrt3A_17, %max3A_19 : vector<9x1xf32>
    %div3A_21 = vector.broadcast %max3A_20 : vector<9x1xf32> to vector<9x768xf32>
    %div3A_22 = arith.divf %get3A_12, %div3A_21 : vector<9x768xf32>
    %get3A_23 = arith.constant 0 : index
    %get3A_24 = arith.constant 0 : index
    %get3A_25 = arith.constant 0 : index
    %get3A_26 = vector.load %arg3[%get3A_23, %get3A_24, %get3A_25] : memref<1x8x768xf32, #tpu.memory_space<vmem>>, vector<1x8x768xf32>
    %get3A_27 = vector.shape_cast %get3A_26 : vector<1x8x768xf32> to vector<8x768xf32>
    %mul3A_28 = arith.mulf %get3A_27, %get3A_27 : vector<8x768xf32>
    %reduce_sum3A_29 = arith.constant dense<0.000000e+00> : vector<8xf32>
    %reduce_sum3A_30 = vector.multi_reduction <add>, %mul3A_28, %reduce_sum3A_29 [1] : vector<8x768xf32> to vector<8xf32>
    %broadcast_in_dim3A_31 = vector.shape_cast %reduce_sum3A_30 : vector<8xf32> to vector<8x1xf32>
    %sqrt3A_32 = math.sqrt %broadcast_in_dim3A_31 : vector<8x1xf32>
    %max3A_33 = arith.constant 9.99999996E-13 : f32
    %max3A_34 = vector.broadcast %max3A_33 : f32 to vector<8x1xf32>
    %max3A_35 = arith.maximumf %sqrt3A_32, %max3A_34 : vector<8x1xf32>
    %div3A_36 = vector.broadcast %max3A_35 : vector<8x1xf32> to vector<8x768xf32>
    %div3A_37 = arith.divf %get3A_27, %div3A_36 : vector<8x768xf32>
    %get3A_38 = arith.constant 0 : index
    %get3A_39 = arith.constant 0 : index
    %get3A_40 = arith.constant 0 : index
    %get3A_41 = vector.load %arg4[%get3A_38, %get3A_39, %get3A_40] : memref<1x7x768xf32, #tpu.memory_space<vmem>>, vector<1x7x768xf32>
    %get3A_42 = vector.shape_cast %get3A_41 : vector<1x7x768xf32> to vector<7x768xf32>
    %mul3A_43 = arith.mulf %get3A_42, %get3A_42 : vector<7x768xf32>
    %reduce_sum3A_44 = arith.constant dense<0.000000e+00> : vector<7xf32>
    %reduce_sum3A_45 = vector.multi_reduction <add>, %mul3A_43, %reduce_sum3A_44 [1] : vector<7x768xf32> to vector<7xf32>
    %broadcast_in_dim3A_46 = vector.shape_cast %reduce_sum3A_45 : vector<7xf32> to vector<7x1xf32>
    %sqrt3A_47 = math.sqrt %broadcast_in_dim3A_46 : vector<7x1xf32>
    %max3A_48 = arith.constant 9.99999996E-13 : f32
    %max3A_49 = vector.broadcast %max3A_48 : f32 to vector<7x1xf32>
    %max3A_50 = arith.maximumf %sqrt3A_47, %max3A_49 : vector<7x1xf32>
    %div3A_51 = vector.broadcast %max3A_50 : vector<7x1xf32> to vector<7x768xf32>
    %div3A_52 = arith.divf %get3A_42, %div3A_51 : vector<7x768xf32>
    %get3A_53 = arith.constant 0 : index
    %get3A_54 = arith.constant 0 : index
    %get3A_55 = arith.constant 0 : index
    %get3A_56 = vector.load %arg5[%get3A_53, %get3A_54, %get3A_55] : memref<1x1x768xf32, #tpu.memory_space<vmem>>, vector<1x1x768xf32>
    %get3A_57 = vector.shape_cast %get3A_56 : vector<1x1x768xf32> to vector<1x768xf32>
    %mul3A_58 = arith.mulf %get3A_57, %get3A_57 : vector<1x768xf32>
    %reduce_sum3A_59 = arith.constant dense<0.000000e+00> : vector<1xf32>
    %reduce_sum3A_60 = vector.multi_reduction <add>, %mul3A_58, %reduce_sum3A_59 [1] : vector<1x768xf32> to vector<1xf32>
    %broadcast_in_dim3A_61 = vector.shape_cast %reduce_sum3A_60 : vector<1xf32> to vector<1x1xf32>
    %sqrt3A_62 = math.sqrt %broadcast_in_dim3A_61 : vector<1x1xf32>
    %max3A_63 = arith.constant 9.99999996E-13 : f32
    %max3A_64 = vector.broadcast %max3A_63 : f32 to vector<1x1xf32>
    %max3A_65 = arith.maximumf %sqrt3A_62, %max3A_64 : vector<1x1xf32>
    %div3A_66 = vector.broadcast %max3A_65 : vector<1x1xf32> to vector<1x768xf32>
    %div3A_67 = arith.divf %get3A_57, %div3A_66 : vector<1x768xf32>
    %dot_general3A = arith.constant dense<0.000000e+00> : vector<80x9xf32>
    %dot_general3A_68 = tpu.matmul %div3A_7, %div3A_22, %dot_general3A {dimension_numbers = #tpu.dot_dimension_numbers<[1], [1], [0], [0], [0, 0, 1, 0], [], []>, precision = #tpu.contract_precision<fp32>, transpose_lhs_hint = false} : vector<80x768xf32>, vector<9x768xf32>, vector<80x9xf32> -> vector<80x9xf32>
    %dot_general3A_69 = arith.constant dense<0.000000e+00> : vector<80x8xf32>
    %dot_general3A_70 = tpu.matmul %div3A_7, %div3A_37, %dot_general3A_69 {dimension_numbers = #tpu.dot_dimension_numbers<[1], [1], [0], [0], [0, 0, 1, 0], [], []>, precision = #tpu.contract_precision<fp32>, transpose_lhs_hint = false} : vector<80x768xf32>, vector<8x768xf32>, vector<80x8xf32> -> vector<80x8xf32>
    %dot_general3A_71 = arith.constant dense<0.000000e+00> : vector<80x7xf32>
    %dot_general3A_72 = tpu.matmul %div3A_7, %div3A_52, %dot_general3A_71 {dimension_numbers = #tpu.dot_dimension_numbers<[1], [1], [0], [0], [0, 0, 1, 0], [], []>, precision = #tpu.contract_precision<fp32>, transpose_lhs_hint = false} : vector<80x768xf32>, vector<7x768xf32>, vector<80x7xf32> -> vector<80x7xf32>
    %dot_general3A_73 = arith.constant dense<0.000000e+00> : vector<80x1xf32>
    %dot_general3A_74 = tpu.matmul %div3A_7, %div3A_67, %dot_general3A_73 {dimension_numbers = #tpu.dot_dimension_numbers<[1], [1], [0], [0], [0, 0, 1, 0], [], []>, precision = #tpu.contract_precision<fp32>, transpose_lhs_hint = false} : vector<80x768xf32>, vector<1x768xf32>, vector<80x1xf32> -> vector<80x1xf32>
    %reduce_max3A = arith.constant dense<0xFF800000> : vector<80xf32>
    %reduce_max3A_75 = vector.multi_reduction <maximumf>, %dot_general3A_70, %reduce_max3A [1] : vector<80x8xf32> to vector<80xf32>
    %broadcast_in_dim3A_76 = vector.shape_cast %reduce_max3A_75 : vector<80xf32> to vector<80x1xf32>
    %reduce_max3A_77 = arith.constant dense<0xFF800000> : vector<80xf32>
    %reduce_max3A_78 = vector.multi_reduction <maximumf>, %dot_general3A_72, %reduce_max3A_77 [1] : vector<80x7xf32> to vector<80xf32>
    %broadcast_in_dim3A_79 = vector.shape_cast %reduce_max3A_78 : vector<80xf32> to vector<80x1xf32>
    %max3A_80 = arith.maximumf %broadcast_in_dim3A_76, %broadcast_in_dim3A_79 : vector<80x1xf32>
    %max3A_81 = arith.maximumf %max3A_80, %dot_general3A_74 : vector<80x1xf32>
    %ge3A = vector.broadcast %max3A_81 : vector<80x1xf32> to vector<80x9xf32>
    %ge3A_82 = arith.cmpf oge, %dot_general3A_68, %ge3A : vector<80x9xf32>
    %convert_element_type3A = arith.extui %ge3A_82 : vector<80x9xi1> to vector<80x9xi32>
    %convert_element_type3A_83 = arith.sitofp %convert_element_type3A : vector<80x9xi32> to vector<80x9xf32>
    %reduce_sum3A_84 = arith.constant dense<0.000000e+00> : vector<80xf32>
    %reduce_sum3A_85 = vector.multi_reduction <add>, %convert_element_type3A_83, %reduce_sum3A_84 [1] : vector<80x9xf32> to vector<80xf32>
    %broadcast_in_dim3A_86 = vector.shape_cast %reduce_sum3A_85 : vector<80xf32> to vector<80x1xf32>
    %ge3A_87 = arith.cmpf oge, %broadcast_in_dim3A_76, %max3A_81 : vector<80x1xf32>
    %ge3A_88 = arith.cmpf oge, %broadcast_in_dim3A_79, %max3A_81 : vector<80x1xf32>
    %jit3A = arith.constant 1.000000e+00 : f32
    %jit3A_89 = arith.constant -1.000000e+01 : f32
    %broadcast_in_dim3A_90 = vector.broadcast %jit3A : f32 to vector<80x1xf32>
    %broadcast_in_dim3A_91 = vector.broadcast %jit3A_89 : f32 to vector<80x1xf32>
    %select_n3A = arith.select %ge3A_88, %broadcast_in_dim3A_90, %broadcast_in_dim3A_91 : vector<80x1xi1>, vector<80x1xf32>
    %jit3A_92 = arith.constant 0.000000e+00 : f32
    %broadcast_in_dim3A_93 = vector.broadcast %jit3A_92 : f32 to vector<80x1xf32>
    %select_n3A_94 = arith.select %ge3A_87, %broadcast_in_dim3A_93, %select_n3A : vector<80x1xi1>, vector<80x1xf32>
    %add3A = arith.addf %broadcast_in_dim3A_86, %select_n3A_94 : vector<80x1xf32>
    %iota3A = tpu.iota {dimensions = array<i32: 0>} : vector<80x1xi32>
    %convert_element_type3A_95 = arith.sitofp %iota3A : vector<80x1xi32> to vector<80x1xf32>
    %mul3A_96 = arith.constant 1.280000e+02 : f32
    %mul3A_97 = vector.broadcast %mul3A_96 : f32 to vector<80x1xf32>
    %mul3A_98 = arith.mulf %add3A, %mul3A_97 : vector<80x1xf32>
    %sub3A = arith.subf %mul3A_98, %convert_element_type3A_95 : vector<80x1xf32>
    %transpose3A = tpu.transpose %sub3A, [1, 0] : vector<80x1xf32> -> vector<1x80xf32>
    %gt3A = vector.broadcast %transpose3A : vector<1x80xf32> to vector<80x80xf32>
    %gt3A_99 = vector.broadcast %sub3A : vector<80x1xf32> to vector<80x80xf32>
    %gt3A_100 = arith.cmpf ogt, %gt3A, %gt3A_99 : vector<80x80xf32>
    %convert_element_type3A_101 = arith.extui %gt3A_100 : vector<80x80xi1> to vector<80x80xi32>
    %convert_element_type3A_102 = arith.sitofp %convert_element_type3A_101 : vector<80x80xi32> to vector<80x80xf32>
    %reduce_sum3A_103 = arith.constant dense<0.000000e+00> : vector<80xf32>
    %reduce_sum3A_104 = vector.multi_reduction <add>, %convert_element_type3A_102, %reduce_sum3A_103 [1] : vector<80x80xf32> to vector<80xf32>
    %broadcast_in_dim3A_105 = vector.shape_cast %reduce_sum3A_104 : vector<80xf32> to vector<80x1xf32>
    %lt3A = arith.constant 4.000000e+01 : f32
    %lt3A_106 = vector.broadcast %lt3A : f32 to vector<80x1xf32>
    %lt3A_107 = arith.cmpf olt, %broadcast_in_dim3A_105, %lt3A_106 : vector<80x1xf32>
    %convert_element_type3A_108 = arith.extui %lt3A_107 : vector<80x1xi1> to vector<80x1xi32>
    %convert_element_type3A_109 = arith.sitofp %convert_element_type3A_108 : vector<80x1xi32> to vector<80x1xf32>
    %neg3A = arith.constant 0.000000e+00 : f32
    %neg3A_110 = vector.broadcast %neg3A : f32 to vector<80x1xf32>
    %neg3A_111 = arith.subf %neg3A_110, %add3A : vector<80x1xf32>
    %mul3A_112 = arith.constant 1.280000e+02 : f32
    %mul3A_113 = vector.broadcast %mul3A_112 : f32 to vector<80x1xf32>
    %mul3A_114 = arith.mulf %neg3A_111, %mul3A_113 : vector<80x1xf32>
    %sub3A_115 = arith.subf %mul3A_114, %convert_element_type3A_95 : vector<80x1xf32>
    %transpose3A_116 = tpu.transpose %sub3A_115, [1, 0] : vector<80x1xf32> -> vector<1x80xf32>
    %gt3A_117 = vector.broadcast %transpose3A_116 : vector<1x80xf32> to vector<80x80xf32>
    %gt3A_118 = vector.broadcast %sub3A_115 : vector<80x1xf32> to vector<80x80xf32>
    %gt3A_119 = arith.cmpf ogt, %gt3A_117, %gt3A_118 : vector<80x80xf32>
    %convert_element_type3A_120 = arith.extui %gt3A_119 : vector<80x80xi1> to vector<80x80xi32>
    %convert_element_type3A_121 = arith.sitofp %convert_element_type3A_120 : vector<80x80xi32> to vector<80x80xf32>
    %reduce_sum3A_122 = arith.constant dense<0.000000e+00> : vector<80xf32>
    %reduce_sum3A_123 = vector.multi_reduction <add>, %convert_element_type3A_121, %reduce_sum3A_122 [1] : vector<80x80xf32> to vector<80xf32>
    %broadcast_in_dim3A_124 = vector.shape_cast %reduce_sum3A_123 : vector<80xf32> to vector<80x1xf32>
    %lt3A_125 = arith.constant 4.000000e+01 : f32
    %lt3A_126 = vector.broadcast %lt3A_125 : f32 to vector<80x1xf32>
    %lt3A_127 = arith.cmpf olt, %broadcast_in_dim3A_124, %lt3A_126 : vector<80x1xf32>
    %convert_element_type3A_128 = arith.extui %lt3A_127 : vector<80x1xi1> to vector<80x1xi32>
    %convert_element_type3A_129 = arith.sitofp %convert_element_type3A_128 : vector<80x1xi32> to vector<80x1xf32>
    %reduce_max3A_130 = vector.shape_cast %sub3A : vector<80x1xf32> to vector<1x80x1xf32>
    %reduce_max3A_131 = arith.constant dense<0xFF800000> : vector<1xf32>
    %reduce_max3A_132 = vector.multi_reduction <maximumf>, %reduce_max3A_130, %reduce_max3A_131 [1, 2] : vector<1x80x1xf32> to vector<1xf32>
    %reduce_max3A_133 = vector.shape_cast %reduce_max3A_132 : vector<1xf32> to vector<1x1x1xf32>
    %reduce_max3A_134 = vector.extract %reduce_max3A_133[0, 0, 0] : f32 from vector<1x1x1xf32>
    %ge3A_135 = vector.broadcast %reduce_max3A_134 : f32 to vector<80x1xf32>
    %ge3A_136 = arith.cmpf oge, %sub3A, %ge3A_135 : vector<80x1xf32>
    %convert_element_type3A_137 = arith.extui %ge3A_136 : vector<80x1xi1> to vector<80x1xi32>
    %convert_element_type3A_138 = arith.sitofp %convert_element_type3A_137 : vector<80x1xi32> to vector<80x1xf32>
    %mul3A_139 = vector.broadcast %convert_element_type3A_138 : vector<80x1xf32> to vector<80x768xf32>
    %mul3A_140 = arith.mulf %get3A_3, %mul3A_139 : vector<80x768xf32>
    %reduce_sum3A_141 = arith.constant dense<0.000000e+00> : vector<768xf32>
    %reduce_sum3A_142 = vector.multi_reduction <add>, %mul3A_140, %reduce_sum3A_141 [0] : vector<80x768xf32> to vector<768xf32>
    %broadcast_in_dim3A_143 = vector.shape_cast %reduce_sum3A_142 : vector<768xf32> to vector<1x768xf32>
    %broadcast_in_dim3A_144 = vector.shape_cast %broadcast_in_dim3A_143 : vector<1x768xf32> to vector<1x1x768xf32>
    %swap3A = arith.constant 0 : index
    %swap3A_145 = arith.constant 0 : index
    %swap3A_146 = arith.constant 0 : index
    %swap3A_147 = vector.load %arg6[%swap3A, %swap3A_145, %swap3A_146] : memref<1x1x768xf32, #tpu.memory_space<vmem>>, vector<1x1x768xf32>
    tpu.vector_store %arg6[%swap3A, %swap3A_145, %swap3A_146], %broadcast_in_dim3A_144 {strides = array<i32>} : memref<1x1x768xf32, #tpu.memory_space<vmem>>, vector<1x1x768xf32>,
    %mul3A_148 = vector.broadcast %convert_element_type3A_109 : vector<80x1xf32> to vector<80x768xf32>
    %mul3A_149 = arith.mulf %get3A_3, %mul3A_148 : vector<80x768xf32>
    %reduce_sum3A_150 = arith.constant dense<0.000000e+00> : vector<768xf32>
    %reduce_sum3A_151 = vector.multi_reduction <add>, %mul3A_149, %reduce_sum3A_150 [0] : vector<80x768xf32> to vector<768xf32>
    %broadcast_in_dim3A_152 = vector.shape_cast %reduce_sum3A_151 : vector<768xf32> to vector<1x768xf32>
    %div3A_153 = arith.constant 4.000000e+01 : f32
    %div3A_154 = vector.broadcast %div3A_153 : f32 to vector<1x768xf32>
    %div3A_155 = arith.divf %broadcast_in_dim3A_152, %div3A_154 : vector<1x768xf32>
    %mul3A_156 = arith.mulf %div3A_155, %div3A_155 : vector<1x768xf32>
    %reduce_sum3A_157 = arith.constant dense<0.000000e+00> : vector<1xf32>
    %reduce_sum3A_158 = vector.multi_reduction <add>, %mul3A_156, %reduce_sum3A_157 [1] : vector<1x768xf32> to vector<1xf32>
    %broadcast_in_dim3A_159 = vector.shape_cast %reduce_sum3A_158 : vector<1xf32> to vector<1x1xf32>
    %sqrt3A_160 = math.sqrt %broadcast_in_dim3A_159 : vector<1x1xf32>
    %max3A_161 = arith.constant 9.99999996E-13 : f32
    %max3A_162 = vector.broadcast %max3A_161 : f32 to vector<1x1xf32>
    %max3A_163 = arith.maximumf %sqrt3A_160, %max3A_162 : vector<1x1xf32>
    %div3A_164 = vector.broadcast %max3A_163 : vector<1x1xf32> to vector<1x768xf32>
    %div3A_165 = arith.divf %div3A_155, %div3A_164 : vector<1x768xf32>
    %broadcast_in_dim3A_166 = vector.shape_cast %div3A_165 : vector<1x768xf32> to vector<1x1x768xf32>
    %swap3A_167 = arith.constant 0 : index
    %swap3A_168 = arith.constant 0 : index
    %swap3A_169 = arith.constant 0 : index
    %swap3A_170 = vector.load %arg7[%swap3A_167, %swap3A_168, %swap3A_169] : memref<1x1x768xf32, #tpu.memory_space<vmem>>, vector<1x1x768xf32>
    tpu.vector_store %arg7[%swap3A_167, %swap3A_168, %swap3A_169], %broadcast_in_dim3A_166 {strides = array<i32>} : memref<1x1x768xf32, #tpu.memory_space<vmem>>, vector<1x1x768xf32>,
    %mul3A_171 = vector.broadcast %convert_element_type3A_129 : vector<80x1xf32> to vector<80x768xf32>
    %mul3A_172 = arith.mulf %get3A_3, %mul3A_171 : vector<80x768xf32>
    %reduce_sum3A_173 = arith.constant dense<0.000000e+00> : vector<768xf32>
    %reduce_sum3A_174 = vector.multi_reduction <add>, %mul3A_172, %reduce_sum3A_173 [0] : vector<80x768xf32> to vector<768xf32>
    %broadcast_in_dim3A_175 = vector.shape_cast %reduce_sum3A_174 : vector<768xf32> to vector<1x768xf32>
    %div3A_176 = arith.constant 4.000000e+01 : f32
    %div3A_177 = vector.broadcast %div3A_176 : f32 to vector<1x768xf32>
    %div3A_178 = arith.divf %broadcast_in_dim3A_175, %div3A_177 : vector<1x768xf32>
    %mul3A_179 = arith.mulf %div3A_178, %div3A_178 : vector<1x768xf32>
    %reduce_sum3A_180 = arith.constant dense<0.000000e+00> : vector<1xf32>
    %reduce_sum3A_181 = vector.multi_reduction <add>, %mul3A_179, %reduce_sum3A_180 [1] : vector<1x768xf32> to vector<1xf32>
    %broadcast_in_dim3A_182 = vector.shape_cast %reduce_sum3A_181 : vector<1xf32> to vector<1x1xf32>
    %sqrt3A_183 = math.sqrt %broadcast_in_dim3A_182 : vector<1x1xf32>
    %max3A_184 = arith.constant 9.99999996E-13 : f32
    %max3A_185 = vector.broadcast %max3A_184 : f32 to vector<1x1xf32>
    %max3A_186 = arith.maximumf %sqrt3A_183, %max3A_185 : vector<1x1xf32>
    %div3A_187 = vector.broadcast %max3A_186 : vector<1x1xf32> to vector<1x768xf32>
    %div3A_188 = arith.divf %div3A_178, %div3A_187 : vector<1x768xf32>
    %broadcast_in_dim3A_189 = vector.shape_cast %div3A_188 : vector<1x768xf32> to vector<1x1x768xf32>
    %swap3A_190 = arith.constant 0 : index
    %swap3A_191 = arith.constant 0 : index
    %swap3A_192 = arith.constant 0 : index
    %swap3A_193 = vector.load %arg8[%swap3A_190, %swap3A_191, %swap3A_192] : memref<1x1x768xf32, #tpu.memory_space<vmem>>, vector<1x1x768xf32>
    tpu.vector_store %arg8[%swap3A_190, %swap3A_191, %swap3A_192], %broadcast_in_dim3A_189 {strides = array<i32>} : memref<1x1x768xf32, #tpu.memory_space<vmem>>, vector<1x1x768xf32>,
    return
  }
  func.func @transform_0(%arg0: i32) -> (i32, i32, i32) {
    %c0_i32 = arith.constant 0 : i32
    %c0_i32_0 = arith.constant 0 : i32
    %c0_i32_1 = arith.constant 0 : i32
    return %arg0, %c0_i32, %c0_i32_0 : i32, i32, i32
  }
  func.func @transform_1(%arg0: i32) -> (i32, i32, i32) {
    %c0_i32 = arith.constant 0 : i32
    %c0_i32_0 = arith.constant 0 : i32
    %c0_i32_1 = arith.constant 0 : i32
    return %arg0, %c0_i32, %c0_i32_0 : i32, i32, i32
  }
  func.func @transform_2(%arg0: i32) -> (i32, i32, i32) {
    %c0_i32 = arith.constant 0 : i32
    %c0_i32_0 = arith.constant 0 : i32
    %c0_i32_1 = arith.constant 0 : i32
    return %arg0, %c0_i32, %c0_i32_0 : i32, i32, i32
  }
  func.func @transform_3(%arg0: i32) -> (i32, i32, i32) {
    %c0_i32 = arith.constant 0 : i32
    %c0_i32_0 = arith.constant 0 : i32
    %c0_i32_1 = arith.constant 0 : i32
    return %arg0, %c0_i32, %c0_i32_0 : i32, i32, i32
  }
  func.func @transform_4(%arg0: i32) -> (i32, i32, i32) {
    %c0_i32 = arith.constant 0 : i32
    %c0_i32_0 = arith.constant 0 : i32
    %c0_i32_1 = arith.constant 0 : i32
    return %arg0, %c0_i32, %c0_i32_0 : i32, i32, i32
  }
  func.func @transform_5(%arg0: i32) -> (i32, i32, i32) {
    %c0_i32 = arith.constant 0 : i32
    %c0_i32_0 = arith.constant 0 : i32
    %c0_i32_1 = arith.constant 0 : i32
    return %arg0, %c0_i32, %c0_i32_0 : i32, i32, i32
  }
  func.func @transform_6(%arg0: i32) -> (i32, i32, i32) {
    %c0_i32 = arith.constant 0 : i32
    %c0_i32_0 = arith.constant 0 : i32
    %c0_i32_1 = arith.constant 0 : i32
    return %arg0, %c0_i32, %c0_i32_0 : i32, i32, i32
  }
  func.func @transform_7(%arg0: i32) -> (i32, i32, i32) {
    %c0_i32 = arith.constant 0 : i32
    %c0_i32_0 = arith.constant 0 : i32
    %c0_i32_1 = arith.constant 0 : i32
    return %arg0, %c0_i32, %c0_i32_0 : i32, i32, i32
  }
}

</mosaic_0001>

<sc_bundles>
// kernel: kernel.8.cloned.1.call-start
scs
__scs_entry_jumppad:
0x0: {  	(pc) =	sbr.rel $0x88, $3  }
0x1: {  	(tag) =	ssettag $0x0;
	lr =	simm.s32 $0x1  }
0x2: {  	[smem:$0x3F94] =	sst lr;
	_ =	strace $0xD0000000  }
0x3: {  	_ = 	snop  }
0x4: {  	_ = 	snop  }
0x5: {  	_ = 	snop  }
0x6: {  	_ = 	snop  }
0x7: {  	_ = 	snop  }
__scs_overlays_trampoline_lowered:
0x8: {  	[smem:$0x3FA3] =	sst s0  }
0x9: {  	[smem:$0x3FA4] =	sst s1  }
0xa: {  	[smem:$0x3FA5] =	sst s2  }
0xb: {  	[smem:$0x3FA6] =	sst s3  }
0xc: {  	[smem:$0x3FA7] =	sst s4  }
0xd: {  	[smem:$0x3FA8] =	sst s5  }
0xe: {  	[smem:$0x3FA9] =	sst s6  }
0xf: {  	[smem:$0x3FAA] =	sst s7  }
0x10: {  	[smem:$0x3FAB] =	sst s8  }
0x11: {  	[smem:$0x3FAC] =	sst s9;
	s0 =	simm.s32 @!p0 $0x0  }
0x12: {  	s1 =	sld [smem:$0x3F92];
	s0 =	simm.s32 @p0 $0x1  }
0x13: {  	[smem:$0x3FAD] =	sst s0;
	s0 =	simm.s32 @!p1 $0x0  }
0x14: {  	s2 =	sld [smem:$0x3F91];
	s0 =	simm.s32 @p1 $0x1  }
0x15: {  	[smem:$0x3FAE] =	sst s0;
	s0 =	simm.s32 @!p2 $0x0  }
0x16: {  	s3 =	sld [smem:$0x3FDB];
	s0 =	simm.s32 @p2 $0x1  }
0x17: {  	s4 =	simm.s32 $0x1BF5;
	[smem:$0x3FB0] =	sst s0  }
0x18: {  	s0 =	sld [smem:$0x3F93];
	_ =	swait.ge [sflag:s4], $0x0  }
0x19: {  	s7 =	sld [smem:$0x3F94]  }
0x1a: {  	s8 =	sadd.s32 $0xFFFFE003, lr  }
0x1b: {  	s9 =	sadd.s32 $0xFFFFFEF7, lr;
	s5 =	simm.s32 $0xFFFFFFFF;
	p2 =	slt.u32 s8, $0xFFFFF086  }
0x1c: {  	p1 =	slt.u32 s9, $0xF7A;
	s5 =	simm.s32 @!p2 $0x0  }
0x1d: {  	s5 =	simm.s32 @p1 $0x1;
	p0 =	seq.s32 s7, s2  }
0x1e: {  	s7 =	smul.u32 @!p0 $0xF7A, s2;
	p2 =	seq.s32 @!p0 s5, $0x0  }
0x1f: {  	s9 =	smul.u32 $0xF7A, s1;
	s8 =	simm.s32 @!p0 $0x1BF5;
	p2 =	por !p2, p0  }
0x20: {  	[sflag:s8] =	ssyncset.s32 @!p0 $0xFFFFF086;
	s6 =	sadd.s32 @!p0 s3, s7;
	s7 =	simm.s32 @!p0 $0x108  }
0x21: {  	s3 =	sadd.s32 s3, s9;
	s6 =	sadd.s32 @!p0 $0x88, s6;
	s7 =	simm.s32 @p2 $0x1082  }
0x22: {  	[simem:s7], [sflag:s8] =	dma.local @!p0 [hbm:s6], $0xF7A  }
0x23: {  	s9 =	sor.u32 $0xD0000000, s2;
	s6 =	simm.s32 $0x108;
	_ =	swait.ge @!p0 [sflag:s8], $0x0  }
0x24: {  	s3 =	sadd.s32 $0x88, s3;
	s6 =	simm.s32 @!p1 $0x1082;
	[sflag:s4] =	ssyncset.s32 $0xFFFFF086  }
0x25: {  	[simem:s6], [sflag:s4] =	dma.local [hbm:s3], $0xF7A  }
0x26: {  	[smem:$0x3F94] =	sst s1;
	(tag) =	ssettag s2;
	_ =	strace s9  }
0x27: {  	s1 =	sld [smem:$0x3FA4]  }
0x28: {  	s2 =	sld [smem:$0x3FA5]  }
0x29: {  	s4 =	sld [smem:$0x3FA7]  }
0x2a: {  	p0 =	seq.s32 s5, $0x0;
	s5 =	sld [smem:$0x3FA8]  }
0x2b: {  	s6 =	sld [smem:$0x3FA9]  }
0x2c: {  	s7 =	sld [smem:$0x3FAA]  }
0x2d: {  	s3 =	simm.s32 $0x108;
	s8 =	sld [smem:$0x3FAB]  }
0x2e: {  	s3 =	simm.s32 @!p0 $0x1082;
	s9 =	sld [smem:$0x3FAC]  }
0x2f: {  	lr =	sadd.s32 s0, s3;
	s0 =	sld [smem:$0x3FA3]  }
0x30: {  	s3 =	sld [smem:$0x3FA6]  }
0x31: {  	[smem:$0x3FAF] =	sst s10  }
0x32: {  	s10 =	sld [smem:$0x3FAD];
	_ =	sdelay $0x3  }
0x33: {  	p0 =	seq.s32 s10, $0x1;
	s10 =	sld [smem:$0x3FAF];
	_ =	sdelay $0x3  }
0x34: {  	[smem:$0x3FAF] =	sst s10  }
0x35: {  	s10 =	sld [smem:$0x3FAE];
	_ =	sdelay $0x3  }
0x36: {  	p1 =	seq.s32 s10, $0x1;
	s10 =	sld [smem:$0x3FAF];
	_ =	sdelay $0x3  }
0x37: {  	[smem:$0x3FAF] =	sst s10  }
0x38: {  	s10 =	sld [smem:$0x3FB0]  }
0x39: {  	_ = 	snop;
	(pc) =	sbr.ind lr, $3  }
0x3a: {  	_ = 	snop  }
0x3b: {  	_ = 	snop  }
0x3c: {  	p2 =	seq.s32 s10, $0x1;
	s10 =	sld [smem:$0x3FAF]  }
0x3d: {  	_ =	shalt  }
0x3e: {  	_ =	shalt  }
0x3f: {  	_ =	shalt  }
0x40: {  	_ =	shalt  }
0x41: {  	_ =	shalt  }
0x42: {  	_ =	shalt  }
0x43: {  	_ =	shalt  }
0x44: {  	_ =	shalt  }
0x45: {  	_ =	shalt  }
0x46: {  	_ =	shalt  }
0x47: {  	_ =	shalt  }
0x48: {  	_ =	shalt  }
0x49: {  	_ =	shalt  }
0x4a: {  	_ =	shalt  }
0x4b: {  	_ =	shalt  }
0x4c: {  	_ =	shalt  }
0x4d: {  	_ =	shalt  }
0x4e: {  	_ =	shalt  }
0x4f: {  	_ =	shalt  }
0x50: {  	_ =	shalt  }
0x51: {  	_ =	shalt  }
0x52: {  	_ =	shalt  }
0x53: {  	_ =	shalt  }
0x54: {  	_ =	shalt  }
0x55: {  	_ =	shalt  }
0x56: {  	_ =	shalt  }
0x57: {  	_ =	shalt  }
0x58: {  	_ =	shalt  }
0x59: {  	_ =	shalt  }
0x5a: {  	_ =	shalt  }
0x5b: {  	_ =	shalt  }
0x5c: {  	_ =	shalt  }
0x5d: {  	_ =	shalt  }
0x5e: {  	_ =	shalt  }
0x5f: {  	_ =	shalt  }
0x60: {  	_ =	shalt  }
0x61: {  	_ =	shalt  }
0x62: {  	_ =	shalt  }
0x63: {  	_ =	shalt  }
0x64: {  	_ =	shalt  }
0x65: {  	_ =	shalt  }
0x66: {  	_ =	shalt  }
0x67: {  	_ =	shalt  }
0x68: {  	_ =	shalt  }
0x69: {  	_ =	shalt  }
0x6a: {  	_ =	shalt  }
0x6b: {  	_ =	shalt  }
0x6c: {  	_ =	shalt  }
0x6d: {  	_ =	shalt  }
0x6e: {  	_ =	shalt  }
0x6f: {  	_ =	shalt  }
0x70: {  	_ =	shalt  }
0x71: {  	_ =	shalt  }
0x72: {  	_ =	shalt  }
0x73: {  	_ =	shalt  }
0x74: {  	_ =	shalt  }
0x75: {  	_ =	shalt  }
0x76: {  	_ =	shalt  }
0x77: {  	_ =	shalt  }
0x78: {  	_ =	shalt  }
0x79: {  	_ =	shalt  }
0x7a: {  	_ =	shalt  }
0x7b: {  	_ =	shalt  }
0x7c: {  	_ =	shalt  }
0x7d: {  	_ =	shalt  }
0x7e: {  	_ =	shalt  }
0x7f: {  	_ =	shalt  }
0x80: {  	_ =	shalt  }
0x81: {  	_ =	shalt  }
0x82: {  	_ =	shalt  }
0x83: {  	_ =	shalt  }
0x84: {  	_ =	shalt  }
0x85: {  	_ =	shalt  }
0x86: {  	_ =	shalt  }
0x87: {  	_ =	shalt  }
.Lfunc_end0:
.L_simem_size_0:
called_computation_lowered:
.L_overlay_start_0:
0x88: {  	s2 =	sld [smem:$0x3FD9]  }
0x89: {  	s3 =	sld [smem:$0x3FFE];
	_ =	sdelay $0x1  }
0x8a: {  	s1 =	srdreg.scid  }
0x8b: {  	s0 =	sand.u32 $0x1, s1  }
0x8c: {  	s14 =	sshll.u32 s0, $0xA;
	s2 =	sadd.s32 s3, s2  }
0x8d: {  	s2 =	sadd.s32 s2, s14  }
0x8e: {  	[smem:$0x3FBB] =	sst s2  }
0x8f: {  	_ = 	snop  }
0x90: {  	s2 =	sld [smem:$0x3FD0];
	_ =	sdelay $0x2  }
0x91: {  	s4 =	simm.s32 $0xA;
	s5 =	simm.s32 $0x10;
	s15 =	sld [smem:$0x3FC5]  }
0x92: {  	[smem:s5], [sflag:s4] =	dma.local [hbm:s2], $0x1  }
0x93: {  	_ =	swait.eq [sflag:s4], $0x1  }
0x94: {  	[sflag:s4] =	ssyncset.done $0x0  }
0x95: {  	[sflag:s4] =	ssyncadd.s32 $0xFFFFFFFF  }
0x96: {  	s16 =	sld [smem:$0x13];
	(tm) =	ssettm $0x1  }
0x97: {  	s17 =	sld [smem:$0x3FFB];
	_ =	sdelay $0x3  }
0x98: {  	_ =	strace s17  }
0x99: {  	s4 =	sld [smem:$0x3FFC];
	_ =	sdelay $0x3  }
0x9a: {  	_ =	strace s4  }
0x9b: {  	s4 =	sld [smem:$0x3FFD];
	_ =	sdelay $0x3  }
0x9c: {  	_ =	strace s4  }
0x9d: {  	_ =	strace $0x8FFFFFFF  }
0x9e: {  	s18 =	sld [smem:$0x3FDB];
	_ =	sdelay $0x1  }
0x9f: {  	s19 =	simm.s32 $_scs_section_size  }
0xa0: {  	s6 =	simm.s32 $_size__tile_overlayer_lowered;
	s7 =	simm.s32 $_tile_overlayer_lowered  }
0xa1: {  	s22 =	simm.s32 $0x1BFF;
	s21 =	sshll.u32 s7, $0x1;
	s4 =	sadd.s32 s19, s18  }
0xa2: {  	s8 =	simm.s32 $0x0;
	s20 =	sshll.u32 s6, $0x1;
	s6 =	sadd.s32 s21, s4  }
0xa3: {  	[timem:s8], [sflag:s22] =	dma.local [hbm:s6], s20  }
0xa4: {  	_ =	swait.ge [sflag:s22], s20  }
0xa5: {  	s5 =	ssub.s32 $0x0, s20;
	[sflag:s22] =	ssyncset.done $0x0  }
0xa6: {  	[sflag:s22] =	ssyncadd.s32 s5;
	_ =	sdelay $0x1  }
0xa7: {  	s23 =	simm.s32 $0x1B8B  }
0xa8: {  	_ =	swait.ge [sflag:s23], $0x1  }
0xa9: {  	[sflag:s23] =	ssyncset.done $0x0  }
0xaa: {  	s25 =	simm.s32 $0x1B8E;
	s24 =	sld [smem:$0x3FFE];
	[sflag:s23] =	ssyncadd.s32 $0xFFFFFFFF  }
0xab: {  	s26 =	simm.s32 $execute0_lowered;
	[smem:$0x3FD2] =	sst s25  }
0xac: {  	s6 =	sshll.u32 s26, $0x1;
	_ =	strace $0x80000046;
	[dreg:$0x1] =	wrdreg $0xFFFFFFFF  }
0xad: {  	s28 =	simm.s32 $_size_execute0_lowered;
	s4 =	sadd.s32 s4, s6;
	[dreg:$0x0] =	wrdreg $0x0  }
0xae: {  	s6 =	sshll.u32 s28, $0x1;
	[dreg:$0x2] =	wrdreg s4  }
0xaf: {  	[dreg:$0x3] =	wrdreg s6  }
0xb0: {  	[dreg:$0x4] =	wrdreg $0xC0  }
0xb1: {  	_ =	task [dreg:s8], $0x5FFFF  }
0xb2: {  	[dreg:$0x1] =	wrdreg $0xFFFFFFFF  }
0xb3: {  	[dreg:$0x0] =	wrdreg $0x60  }
0xb4: {  	[dreg:$0x2] =	wrdreg s24  }
0xb5: {  	[dreg:$0x3] =	wrdreg s16  }
0xb6: {  	[dreg:$0x4] =	wrdreg s15  }
0xb7: {  	[dreg:$0x5] =	wrdreg $0x9  }
0xb8: {  	_ =	task.clear_ibuf [dreg:s8], $0x6FFFF;
	_ =	strace $0x90000046  }
0xb9: {  	s29 =	simm.s32 $0x9;
	_ =	strace $0x80000048  }
0xba: {  	_ =	swait.ge [sflag:s29], $0x1  }
0xbb: {  	[sflag:s29] =	ssyncadd.s32 $0xFFFFFFFF  }
0xbc: {  	_ =	strace $0x90000048  }
0xbd: {  	_ =	sfence  }
0xbe: {  	s30 =	sld [smem:$0x0];
	_ =	sdelay $0x2  }
0xbf: {  	s31 =	sshll.u32 s1, $0xD;
	s1 =	sshrl.u32 s1, $0x2  }
0xc0: {  	s3 =	sand.u32 $0x4000, s31;
	s1 =	sadd.s32 s1, s30  }
0xc1: {  	s0 =	sor.u32 s3, s0;
	s1 =	sshll.u32 s1, $0x11  }
0xc2: {  	s0 =	sor.u32 s1, s0  }
0xc3: {  	s0 =	sadd.s32 $0x8F2B, s0  }
0xc4: {  	[sflag:s0] =	ssyncadd.remote.s32 $0x1  }
0xc5: {  	_ =	sfence.sel $0xFFFF  }
0xc6: {  	[dreg:$0x0] =	wrdreg $0xFFFFFFFF;
	(pc) =	sbr.abs _section_cstart, $3  }
0xc7: {  	[dreg:$0x1] =	wrdreg $0xFFFFFFFF  }
0xc8: {  	_ =	task.clear_ibuf [dreg:s8], $0x2FFFF;
	_ =	strace $0x9FFFFFFF  }
0xc9: {  	(tm) =	ssettm $0x7FFFFFFF  }
tec
execute0_lowered:
.L_overlay_start_1:
0x0: {  	(tag) =	ssettag $0x1  }
0x1: {  	s0 =	rddreg [dreg:$0x0]  }
0x2: {  	s2 =	rddreg [dreg:$0x2];
	s3 =	simm.s32 $0x0  }
0x3: {  	s1 =	srdreg.scid;
	s6 =	stileid.u32;
	s12 =	simm.s32 $0x2  }
0x4: {  	s13 =	simm.s32 $0x3180;
	s14 =	simm.s32 $0x3580;
	s15 =	simm.s32 $0x3980  }
0x5: {  	s16 =	simm.s32 $0x3A00;
	s28 =	simm.s32 $0x12A00;
	s29 =	simm.s32 $0x13200  }
0x6: {  	s30 =	simm.s32 $0x13A00;
	s31 =	simm.s32 $0x14200;
	s10 =	simm.s32 $0x0  }
0x7: {  	[smem:$0x7FF] =	sst s3;
	s1 =	sand.u32 $0x1, s1;
	s5 =	sadd.s32 $0xC4C00, s0  }
.Ltmp0:
0x8: {  	s8 =	sshll.u32 s6, $0x1;
	s4 =	ssub.s32 $0x2, s1;
	(pc) =	sbr.rel .LBB2_1-.Ltmp0, $4  }
0x9: {  	s6 =	sadd.s32 $0xC00, s0;
	s9 =	sadd.s32 $0x200, s2;
	s7 =	sshrl.u32 s4, $0x1  }
0xa: {  	v0 =	vimm.s32 $0x0;
	v1 =	vlaneseq.u32;
	_ =	strace $0x80000047;
	s1 =	sshll.u32 s1, $0x5;
	s26 =	ssub.s32 s4, s7  }
0xb: {  	vm0 =	vmmov $0xffff;
	v2 =	vor.u32 $0x50, v1;
	v4 =	vshrl.u32 v1, $0x3;
	s7 =	sor.u32 s8, s1;
	s8 =	sadd.s32 $0x100, s2;
	s0 =	smax.u32 s26, $0x1  }
0xc: {  	v3 =	vand.u32 $0x7, v1;
	v5 =	vor.u32 $0x8, v1;
	v4 =	vmul.u32 $0x8, v4;
	s4 =	simm.s32 $0x15200;
	[dreg:$0x4] =	wrdreg s0;
	s0 =	simm.s32 $0x14A00  }
.LBB2_22:
0xd: {  	s10 =	rddreg [dreg:$0x5]  }
0xe: {  	s1 =	rddreg [dreg:$0x4];
	s10 =	sadd.s32 $0x1, s10  }
0xf: {  	p0 =	sne.s32 s10, s1  }
.Ltmp1:
0x10: {  	_ = 	snop;
	(pc) =	sbr.rel @!p0 .LBB2_23-.Ltmp1, $1  }
0x11: {  	_ =	sdelay $0x3  }
.LBB2_1:
.Ltmp2:
0x12: {  	(pc) =	sbr.rel .LBB2_2-.Ltmp2, $2  }
0x13: {  	_ =	sdelay $0x2  }
0x14: {  	[dreg:$0x5] =	wrdreg s10;
	p1 =	por $0x1, $0x1;
	s1 =	simm.s32 $0x0  }
.LBB2_21:
0x15: {  	v6 =	vld [tilespmem:$0x3980];
	_ =	sdelay $0x4  }
0x16: {  	v7 =	vshrl.u32 v6, $0x3  }
0x17: {  	v7 =	vmul.u32 $0x30, v7  }
0x18: {  	v6 =	vand.u32 $0x7, v6  }
0x19: {  	v6 =	vor.u32 v6, v7  }
0x1a: {  	v7 =	vperm.xlane v6, v3;
	_ =	sdelay $0x1  }
0x1b: {  	v7 =	vadd.s32 v4, v7;
	_ =	sdelay $0x3  }
0x1c: {  	v6 =	vperm.xlane v6, v5  }
0x1d: {  	[tilespmem:s16], [sflag:$0x1] =	stream.indirect_vreg.gather [hbm4b:s2+s3], $0x80, v7, vm0, $0xb8;
	[tilespmem:$0x15A00] =	vst v63  }
0x1e: {  	s1 =	simm.s32 $0x4200;
	v6 =	vadd.s32 v4, v6  }
0x1f: {  	[tilespmem:s1], [sflag:$0x1] =	stream.indirect_vreg.gather [hbm4b:s8+s3], $0x80, v7, vm0, $0xb8;
	[tilespmem:$0x15A00] =	vst v63  }
0x20: {  	s21 =	simm.s32 $0x4A00  }
0x21: {  	[tilespmem:s21], [sflag:$0x1] =	stream.indirect_vreg.gather [hbm4b:s9+s3], $0x80, v7, vm0, $0xb8;
	[tilespmem:$0x15A00] =	vst v63  }
0x22: {  	s22 =	simm.s32 $0x5200  }
0x23: {  	[tilespmem:s22], [sflag:$0x1] =	stream.indirect_vreg.gather [hbm4b:s2+s3], $0x80, v6, vm0, $0xb8;
	[tilespmem:$0x15A00] =	vst v63  }
0x24: {  	s23 =	simm.s32 $0x5A00  }
0x25: {  	[tilespmem:s23], [sflag:$0x1] =	stream.indirect_vreg.gather [hbm4b:s8+s3], $0x80, v6, vm0, $0xb8;
	[tilespmem:$0x15A00] =	vst v63  }
0x26: {  	s24 =	simm.s32 $0x6200  }
0x27: {  	[tilespmem:s24], [sflag:$0x1] =	stream.indirect_vreg.gather [hbm4b:s9+s3], $0x80, v6, vm0, $0xb8;
	[tilespmem:$0x15A00] =	vst v63  }
0x28: {  	v6 =	vld [tilespmem:$0x3990];
	_ =	sdelay $0x4  }
0x29: {  	v7 =	vshrl.u32 v6, $0x3  }
0x2a: {  	v7 =	vmul.u32 $0x30, v7  }
0x2b: {  	v6 =	vand.u32 $0x7, v6  }
0x2c: {  	v6 =	vor.u32 v6, v7  }
0x2d: {  	v7 =	vperm.xlane v6, v3;
	_ =	sdelay $0x1  }
0x2e: {  	v7 =	vadd.s32 v4, v7;
	_ =	sdelay $0x3  }
0x2f: {  	s25 =	simm.s32 $0x6A00;
	v6 =	vperm.xlane v6, v5  }
0x30: {  	[tilespmem:s25], [sflag:$0x1] =	stream.indirect_vreg.gather [hbm4b:s2+s3], $0x80, v7, vm0, $0xb8;
	[tilespmem:$0x15A00] =	vst v63  }
0x31: {  	s26 =	simm.s32 $0x7200;
	v6 =	vadd.s32 v4, v6  }
0x32: {  	[tilespmem:s26], [sflag:$0x1] =	stream.indirect_vreg.gather [hbm4b:s8+s3], $0x80, v7, vm0, $0xb8;
	[tilespmem:$0x15A00] =	vst v63  }
0x33: {  	s11 =	simm.s32 $0x7A00  }
0x34: {  	[tilespmem:s11], [sflag:$0x1] =	stream.indirect_vreg.gather [hbm4b:s9+s3], $0x80, v7, vm0, $0xb8;
	[tilespmem:$0x15A00] =	vst v63  }
0x35: {  	s17 =	simm.s32 $0x8200  }
0x36: {  	[tilespmem:s17], [sflag:$0x1] =	stream.indirect_vreg.gather [hbm4b:s2+s3], $0x80, v6, vm0, $0xb8;
	[tilespmem:$0x15A00] =	vst v63  }
0x37: {  	s18 =	simm.s32 $0x8A00  }
0x38: {  	[tilespmem:s18], [sflag:$0x1] =	stream.indirect_vreg.gather [hbm4b:s8+s3], $0x80, v6, vm0, $0xb8;
	[tilespmem:$0x15A00] =	vst v63  }
0x39: {  	s19 =	simm.s32 $0x9200  }
0x3a: {  	[tilespmem:s19], [sflag:$0x1] =	stream.indirect_vreg.gather [hbm4b:s9+s3], $0x80, v6, vm0, $0xb8;
	[tilespmem:$0x15A00] =	vst v63  }
0x3b: {  	v6 =	vld [tilespmem:$0x39A0];
	_ =	sdelay $0x4  }
0x3c: {  	v7 =	vshrl.u32 v6, $0x3  }
0x3d: {  	v7 =	vmul.u32 $0x30, v7  }
0x3e: {  	v6 =	vand.u32 $0x7, v6  }
0x3f: {  	v6 =	vor.u32 v6, v7  }
0x40: {  	v7 =	vperm.xlane v6, v3;
	_ =	sdelay $0x1  }
0x41: {  	v7 =	vadd.s32 v4, v7;
	_ =	sdelay $0x3  }
0x42: {  	s20 =	simm.s32 $0x9A00;
	v6 =	vperm.xlane v6, v5  }
0x43: {  	[tilespmem:s20], [sflag:$0x1] =	stream.indirect_vreg.gather [hbm4b:s2+s3], $0x80, v7, vm0, $0xb8;
	[tilespmem:$0x15A00] =	vst v63  }
0x44: {  	s21 =	simm.s32 $0xA200;
	v6 =	vadd.s32 v4, v6  }
0x45: {  	[tilespmem:s21], [sflag:$0x1] =	stream.indirect_vreg.gather [hbm4b:s8+s3], $0x80, v7, vm0, $0xb8;
	[tilespmem:$0x15A00] =	vst v63  }
0x46: {  	s22 =	simm.s32 $0xAA00  }
0x47: {  	[tilespmem:s22], [sflag:$0x1] =	stream.indirect_vreg.gather [hbm4b:s9+s3], $0x80, v7, vm0, $0xb8;
	[tilespmem:$0x15A00] =	vst v63  }
0x48: {  	s23 =	simm.s32 $0xB200  }
0x49: {  	[tilespmem:s23], [sflag:$0x1] =	stream.indirect_vreg.gather [hbm4b:s2+s3], $0x80, v6, vm0, $0xb8;
	[tilespmem:$0x15A00] =	vst v63  }
0x4a: {  	s24 =	simm.s32 $0xBA00  }
0x4b: {  	[tilespmem:s24], [sflag:$0x1] =	stream.indirect_vreg.gather [hbm4b:s8+s3], $0x80, v6, vm0, $0xb8;
	[tilespmem:$0x15A00] =	vst v63  }
0x4c: {  	s25 =	simm.s32 $0xC200  }
0x4d: {  	[tilespmem:s25], [sflag:$0x1] =	stream.indirect_vreg.gather [hbm4b:s9+s3], $0x80, v6, vm0, $0xb8;
	[tilespmem:$0x15A00] =	vst v63  }
0x4e: {  	v6 =	vld [tilespmem:$0x39B0];
	_ =	sdelay $0x4  }
0x4f: {  	v7 =	vshrl.u32 v6, $0x3  }
0x50: {  	v7 =	vmul.u32 $0x30, v7  }
0x51: {  	v6 =	vand.u32 $0x7, v6  }
0x52: {  	v6 =	vor.u32 v6, v7  }
0x53: {  	v7 =	vperm.xlane v6, v3;
	_ =	sdelay $0x1  }
0x54: {  	v7 =	vadd.s32 v4, v7;
	_ =	sdelay $0x3  }
0x55: {  	s26 =	simm.s32 $0xCA00;
	v6 =	vperm.xlane v6, v5  }
0x56: {  	[tilespmem:s26], [sflag:$0x1] =	stream.indirect_vreg.gather [hbm4b:s2+s3], $0x80, v7, vm0, $0xb8;
	[tilespmem:$0x15A00] =	vst v63  }
0x57: {  	s11 =	simm.s32 $0xD200;
	v6 =	vadd.s32 v4, v6  }
0x58: {  	[tilespmem:s11], [sflag:$0x1] =	stream.indirect_vreg.gather [hbm4b:s8+s3], $0x80, v7, vm0, $0xb8;
	[tilespmem:$0x15A00] =	vst v63  }
0x59: {  	s17 =	simm.s32 $0xDA00  }
0x5a: {  	[tilespmem:s17], [sflag:$0x1] =	stream.indirect_vreg.gather [hbm4b:s9+s3], $0x80, v7, vm0, $0xb8;
	[tilespmem:$0x15A00] =	vst v63  }
0x5b: {  	s18 =	simm.s32 $0xE200  }
0x5c: {  	[tilespmem:s18], [sflag:$0x1] =	stream.indirect_vreg.gather [hbm4b:s2+s3], $0x80, v6, vm0, $0xb8;
	[tilespmem:$0x15A00] =	vst v63  }
0x5d: {  	s19 =	simm.s32 $0xEA00  }
0x5e: {  	[tilespmem:s19], [sflag:$0x1] =	stream.indirect_vreg.gather [hbm4b:s8+s3], $0x80, v6, vm0, $0xb8;
	[tilespmem:$0x15A00] =	vst v63  }
0x5f: {  	s20 =	simm.s32 $0xF200  }
0x60: {  	[tilespmem:s20], [sflag:$0x1] =	stream.indirect_vreg.gather [hbm4b:s9+s3], $0x80, v6, vm0, $0xb8;
	[tilespmem:$0x15A00] =	vst v63  }
0x61: {  	v6 =	vld [tilespmem:$0x39C0];
	_ =	sdelay $0x4  }
0x62: {  	v7 =	vshrl.u32 v6, $0x3  }
0x63: {  	v7 =	vmul.u32 $0x30, v7  }
0x64: {  	v6 =	vand.u32 $0x7, v6  }
0x65: {  	v6 =	vor.u32 v6, v7  }
0x66: {  	v7 =	vperm.xlane v6, v3;
	_ =	sdelay $0x1  }
0x67: {  	v7 =	vadd.s32 v4, v7;
	_ =	sdelay $0x3  }
0x68: {  	s21 =	simm.s32 $0xFA00;
	v6 =	vperm.xlane v6, v5  }
0x69: {  	[tilespmem:s21], [sflag:$0x1] =	stream.indirect_vreg.gather [hbm4b:s2+s3], $0x80, v7, vm0, $0xb8;
	[tilespmem:$0x15A00] =	vst v63  }
0x6a: {  	s22 =	simm.s32 $0x10200;
	v6 =	vadd.s32 v4, v6  }
0x6b: {  	[tilespmem:s22], [sflag:$0x1] =	stream.indirect_vreg.gather [hbm4b:s8+s3], $0x80, v7, vm0, $0xb8;
	[tilespmem:$0x15A00] =	vst v63  }
0x6c: {  	s23 =	simm.s32 $0x10A00  }
0x6d: {  	[tilespmem:s23], [sflag:$0x1] =	stream.indirect_vreg.gather [hbm4b:s9+s3], $0x80, v7, vm0, $0xb8;
	[tilespmem:$0x15A00] =	vst v63  }
0x6e: {  	s24 =	simm.s32 $0x11200  }
0x6f: {  	[tilespmem:s24], [sflag:$0x1] =	stream.indirect_vreg.gather [hbm4b:s2+s3], $0x80, v6, vm0, $0xb8;
	[tilespmem:$0x15A00] =	vst v63  }
0x70: {  	s25 =	simm.s32 $0x11A00  }
0x71: {  	[tilespmem:s25], [sflag:$0x1] =	stream.indirect_vreg.gather [hbm4b:s8+s3], $0x80, v6, vm0, $0xb8;
	[tilespmem:$0x15A00] =	vst v63  }
0x72: {  	s26 =	simm.s32 $0x12200  }
0x73: {  	[tilespmem:s26], [sflag:$0x1] =	stream.indirect_vreg.gather [hbm4b:s9+s3], $0x80, v6, vm0, $0xb8;
	[tilespmem:$0x15A00] =	vst v63  }
0x74: {  	v6 =	vld [tilespmem:$0x39D0];
	_ =	sdelay $0x4  }
0x75: {  	v7 =	vshrl.u32 v6, $0x3  }
0x76: {  	v7 =	vmul.u32 $0x30, v7  }
0x77: {  	v6 =	vand.u32 $0x7, v6  }
0x78: {  	v6 =	vor.u32 v6, v7  }
0x79: {  	v7 =	vperm.xlane v6, v3;
	_ =	sdelay $0x1  }
0x7a: {  	v7 =	vadd.s32 v4, v7;
	_ =	sdelay $0x3  }
0x7b: {  	v6 =	vperm.xlane v6, v5  }
0x7c: {  	[tilespmem:s28], [sflag:$0x1] =	stream.indirect_vreg.gather [hbm4b:s2+s3], $0x80, v7, vm0, $0xb8;
	[tilespmem:$0x15A00] =	vst v63  }
0x7d: {  	v6 =	vadd.s32 v4, v6  }
0x7e: {  	[tilespmem:s29], [sflag:$0x1] =	stream.indirect_vreg.gather [hbm4b:s8+s3], $0x80, v7, vm0, $0xb8;
	[tilespmem:$0x15A00] =	vst v63  }
0x7f: {  	_ = 	snop  }
0x80: {  	[tilespmem:s30], [sflag:$0x1] =	stream.indirect_vreg.gather [hbm4b:s9+s3], $0x80, v7, vm0, $0xb8;
	[tilespmem:$0x15A00] =	vst v63  }
0x81: {  	_ = 	snop  }
0x82: {  	[tilespmem:s31], [sflag:$0x1] =	stream.indirect_vreg.gather [hbm4b:s2+s3], $0x80, v6, vm0, $0xb8;
	[tilespmem:$0x15A00] =	vst v63  }
0x83: {  	_ = 	snop  }
0x84: {  	[tilespmem:s0], [sflag:$0x1] =	stream.indirect_vreg.gather [hbm4b:s8+s3], $0x80, v6, vm0, $0xb8;
	[tilespmem:$0x15A00] =	vst v63  }
0x85: {  	s1 =	simm.s32 $0x1  }
0x86: {  	[tilespmem:s4], [sflag:$0x1] =	stream.indirect_vreg.gather [hbm4b:s9+s3], $0x80, v6, vm0, $0xb8;
	[tilespmem:$0x15A00] =	vst v63  }
0x87: {  	s10 =	smul.u32 $0x1E00, s10;
	_ =	swait.ge [sflag:s1], $0x12000  }
0x88: {  	[sflag:s1] =	ssyncset.done $0x0  }
.Ltmp3:
0x89: {  	s10 =	sadd.s32 s6, s10;
	[sflag:s1] =	ssyncadd.s32 $0xFFFEE000;
	(pc) =	sbr.rel @!p0 .LBB2_22-.Ltmp3, $4  }
0x8a: {  	[hbm4b:s10+s3] =	stream.linear.scatter [tilespmem:s16], [sflag:$0x2], $0xF000, $0x38;
	[tilespmem:$0x15A00] =	vst v63  }
0x8b: {  	_ =	swait.ge [sflag:s12], $0xF000  }
0x8c: {  	[sflag:s12] =	ssyncset.done $0x0  }
0x8d: {  	p1 =	por $0x0, $0x0;
	[sflag:s12] =	ssyncadd.s32 $0xFFFF1000  }
.LBB2_2:
0x8e: {  	s10 =	sor.u32 s7, s1  }
0x8f: {  	s11 =	rddreg [dreg:$0x1];
	s1 =	sshll.u32 s10, $0x1  }
0x90: {  	s17 =	simm.s32 $0x3100;
	s1 =	sadd.s32 s11, s1;
	s11 =	simm.s32 $0x0  }
0x91: {  	[tilespmem:s17], [sflag:$0x2] =	stream.linear.gather [hbm4b:s1+s11], $0x10, $0x38;
	[tilespmem:$0x15A00] =	vst v63  }
.Ltmp4:
0x92: {  	_ = 	snop;
	(pc) =	sbr.rel .LBB2_3-.Ltmp4, $4  }
0x93: {  	_ =	swait.ge [sflag:s12], $0x10  }
0x94: {  	[sflag:s12] =	ssyncset.done $0x0  }
0x95: {  	p0 =	por p1, p1;
	s18 =	simm.s32 $0x0;
	[sflag:s12] =	ssyncadd.s32 $0xFFFFFFF0  }
0x96: {  	s19 =	simm.s32 $0x0;
	s17 =	smul.u32 $0x18800, s10;
	s1 =	simm.s32 $0x0;
	v6 =	vld [tilespmem:$0x3100]  }
.LBB2_7:
0x97: {  	s19 =	sadd.s32 $0x1, s19  }
0x98: {  	p1 =	seq.s32 s19, $0x8  }
.Ltmp5:
0x99: {  	_ = 	snop;
	(pc) =	sbr.rel @p1 .LBB2_8-.Ltmp5, $2  }
0x9a: {  	_ =	sdelay $0x2  }
0x9b: {  	s18 =	sadd.s32 $0x3100, s18  }
.LBB2_3:
0x9c: {  	s20 =	smul.u32 $0x3100, s19;
	_ =	sdelay $0x1  }
0x9d: {  	s20 =	sadd.s32 s17, s20  }
0x9e: {  	s20 =	sshrl.u32 s20, $0x3  }
.Ltmp6:
0x9f: {  	s20 =	sadd.s32 s5, s20;
	(pc) =	sbr.rel .LBB2_4-.Ltmp6, $4  }
0xa0: {  	[tilespmem:s11], [sflag:$0x2] =	stream.linear.gather [hbm4b:s20+s11], $0x3100, $0x38;
	[tilespmem:$0x15A00] =	vst v63  }
0xa1: {  	_ =	swait.ge [sflag:s12], $0x3100  }
0xa2: {  	[sflag:s12] =	ssyncset.done $0x0  }
0xa3: {  	s21 =	simm.s32 $0x0;
	s20 =	simm.s32 $0x40;
	[sflag:s12] =	ssyncadd.s32 $0xFFFFCF00  }
.LBB2_6:
0xa4: {  	s21 =	sadd.s32 $0x80, s21  }
0xa5: {  	p1 =	sne.s32 s21, $0x3100  }
.Ltmp7:
0xa6: {  	_ = 	snop;
	(pc) =	sbr.rel @!p1 .LBB2_7-.Ltmp7, $2  }
0xa7: {  	_ =	sdelay $0x2  }
0xa8: {  	s20 =	sadd.s32 $0x80, s20  }
.LBB2_4:
0xa9: {  	v14 =	vld [tilespmem:s20+$0xFFFFFFC0]  }
0xaa: {  	v13 =	vld [tilespmem:s20+$0xFFFFFFD0]  }
0xab: {  	v12 =	vld [tilespmem:s20+$0xFFFFFFE0]  }
0xac: {  	v11 =	vld [tilespmem:s20+$0xFFFFFFF0]  }
0xad: {  	v10 =	vld [tilespmem:s20+$0x0]  }
0xae: {  	v9 =	vld [tilespmem:s20+$0x10]  }
0xaf: {  	v8 =	vld [tilespmem:s20+$0x20]  }
0xb0: {  	v7 =	vld [tilespmem:s20+$0x30];
	_ =	sdelay $0x3  }
0xb1: {  	v15 =	vmax.f32 v14, v13  }
0xb2: {  	v16 =	vmax.f32 v12, v11;
	v17 =	vmax.f32 v10, v9;
	v18 =	vmax.f32 v8, v7  }
0xb3: {  	v15 =	vmax.f32 v15, v16;
	v63 =	vmax.f32 v17, v18  }
0xb4: {  	v15 =	vmax.f32 v15, v63  }
0xb5: {  	vm1 =	vge.f32 v15, v6  }
0xb6: {  	v15 =	vsel vm1, $0x1, v0  }
0xb7: {  	(xrf0) =	vadd.scan.msk.s32 $0xffff, v15;
	_ =	sdelay $0x5  }
0xb8: {  	v15, _, _ =	vpop (xrf0)  }
0xb9: {  	(v2sf) =	vpush v15, $0xF;
	_ =	sdelay $0xe  }
0xba: {  	s22 =	spop (v2sf)  }
0xbb: {  	p1 =	slt.s32 s22, $0x1  }
.Ltmp8:
0xbc: {  	_ = 	snop;
	(pc) =	sbr.rel @p1 .LBB2_6-.Ltmp8, $1  }
0xbd: {  	_ =	sdelay $0x3  }
0xbe: {  	vm8 =	vge.f32 v14, v6  }
0xbf: {  	v15 =	vsel vm8, $0x1, v0  }
0xc0: {  	(xrf0) =	vadd.scan.msk.s32 $0xffff, v15  }
0xc1: {  	vm7 =	vge.f32 v13, v6  }
0xc2: {  	v44 =	vsel vm7, $0x1, v0  }
0xc3: {  	(xrf0) =	vadd.scan.msk.s32 $0xffff, v44  }
0xc4: {  	vm6 =	vge.f32 v12, v6  }
0xc5: {  	v45 =	vsel vm6, $0x1, v0  }
0xc6: {  	v16, _, _ =	vpop (xrf0);
	(xrf0) =	vadd.scan.msk.s32 $0xffff, v45  }
0xc7: {  	vm5 =	vge.f32 v11, v6;
	(v2sf) =	vpush v16, $0xF  }
0xc8: {  	v46 =	vsel vm5, $0x1, v0  }
0xc9: {  	v47, _, _ =	vpop (xrf0);
	(xrf0) =	vadd.scan.msk.s32 $0xffff, v46  }
0xca: {  	vm4 =	vge.f32 v10, v6;
	(v2sf) =	vpush v47, $0xF  }
0xcb: {  	v48 =	vsel vm4, $0x1, v0  }
0xcc: {  	v49, _, _ =	vpop (xrf0);
	(xrf0) =	vadd.scan.msk.s32 $0xffff, v48  }
0xcd: {  	vm3 =	vge.f32 v9, v6;
	(v2sf) =	vpush v49, $0xF  }
0xce: {  	v50 =	vsel vm3, $0x1, v0  }
0xcf: {  	v51, _, _ =	vpop (xrf0);
	(xrf0) =	vadd.scan.msk.s32 $0xffff, v50  }
0xd0: {  	vm2 =	vge.f32 v8, v6;
	(v2sf) =	vpush v51, $0xF  }
0xd1: {  	v52 =	vsel vm2, $0x1, v0  }
0xd2: {  	v53, _, _ =	vpop (xrf0);
	(xrf0) =	vadd.scan.msk.s32 $0xffff, v52  }
0xd3: {  	vm1 =	vge.f32 v7, v6;
	(v2sf) =	vpush v53, $0xF  }
0xd4: {  	v54 =	vsel vm1, $0x1, v0  }
0xd5: {  	v55, _, _ =	vpop (xrf0);
	(xrf0) =	vadd.scan.msk.s32 $0xffff, v54  }
0xd6: {  	s22 =	spop (v2sf);
	(v2sf) =	vpush v55, $0xF  }
0xd7: {  	s22 =	sadd.s32 s1, s22  }
0xd8: {  	v56, _, _ =	vpop (xrf0);
	p1 =	slt.s32 s22, $0x3F0  }
0xd9: {  	s23 =	spop (v2sf);
	s22 =	simm.s32 @!p1 $0x3F0;
	(v2sf) =	vpush v56, $0xF  }
0xda: {  	s23 =	sadd.s32 s23, s22  }
0xdb: {  	v57, _, _ =	vpop (xrf0);
	p1 =	slt.s32 s23, $0x3F0  }
0xdc: {  	(v2sf) =	vpush v57, $0xF;
	s24 =	spop (v2sf);
	s23 =	simm.s32 @!p1 $0x3F0  }
0xdd: {  	p1 =	slt.s32 s1, $0x3F0;
	s24 =	sadd.s32 s24, s23  }
0xde: {  	s25 =	sadd.s32 s21, s18;
	s1 =	simm.s32 @!p1 $0x3F0;
	p1 =	slt.s32 s24, $0x3F0  }
0xdf: {  	v58 =	vor.u32 s25, v1;
	s26 =	spop (v2sf);
	[tilespmem:s1+$0x3180] =	vst.msk vm8, v14;
	s24 =	simm.s32 @!p1 $0x3F0  }
0xe0: {  	[tilespmem:s1+$0x3580] =	vst.msk vm8, v58;
	s1 =	sadd.s32 $0x10, s25;
	s26 =	sadd.s32 s26, s24  }
0xe1: {  	[tilespmem:s22+$0x3180] =	vst.msk vm7, v13;
	v59 =	vor.u32 s1, v1;
	p1 =	slt.s32 s26, $0x3F0  }
0xe2: {  	[tilespmem:s22+$0x3580] =	vst.msk vm7, v59;
	s22 =	sadd.s32 $0x20, s25;
	s1 =	spop (v2sf);
	s26 =	simm.s32 @!p1 $0x3F0  }
0xe3: {  	v60 =	vor.u32 s22, v1;
	[tilespmem:s23+$0x3180] =	vst.msk vm6, v12;
	s1 =	sadd.s32 s1, s26  }
0xe4: {  	[tilespmem:s23+$0x3580] =	vst.msk vm6, v60;
	s23 =	sadd.s32 $0x30, s25;
	p1 =	slt.s32 s1, $0x3F0  }
0xe5: {  	v61 =	vor.u32 s23, v1;
	[tilespmem:s24+$0x3180] =	vst.msk vm5, v11;
	s23 =	spop (v2sf);
	s1 =	simm.s32 @!p1 $0x3F0  }
0xe6: {  	[tilespmem:s24+$0x3580] =	vst.msk vm5, v61;
	s24 =	sadd.s32 $0x40, s25;
	s22 =	sadd.s32 s23, s1  }
0xe7: {  	[tilespmem:s26+$0x3180] =	vst.msk vm4, v10;
	v62 =	vor.u32 s24, v1;
	p1 =	slt.s32 s22, $0x3F0  }
0xe8: {  	[tilespmem:s26+$0x3580] =	vst.msk vm4, v62;
	s26 =	sadd.s32 $0x50, s25;
	s23 =	spop (v2sf);
	s22 =	simm.s32 @!p1 $0x3F0  }
0xe9: {  	v63 =	vor.u32 s26, v1;
	[tilespmem:s1+$0x3180] =	vst.msk vm3, v9;
	s23 =	sadd.s32 s23, s22  }
.Ltmp9:
0xea: {  	s26 =	sadd.s32 $0x60, s25;
	[tilespmem:s1+$0x3580] =	vst.msk vm3, v63;
	p1 =	slt.s32 s23, $0x3F0;
	(pc) =	sbr.rel .LBB2_6-.Ltmp9, $4  }
0xeb: {  	s24 =	spop (v2sf);
	[tilespmem:s22+$0x3180] =	vst.msk vm2, v8;
	v8 =	vor.u32 s26, v1;
	s23 =	simm.s32 @!p1 $0x3F0  }
0xec: {  	s26 =	sadd.s32 $0x70, s25;
	[tilespmem:s22+$0x3580] =	vst.msk vm2, v8;
	s1 =	sadd.s32 s24, s23  }
0xed: {  	[tilespmem:s23+$0x3180] =	vst.msk vm1, v7;
	v7 =	vor.u32 s26, v1;
	p1 =	slt.s32 s1, $0x3F0  }
0xee: {  	[tilespmem:s23+$0x3580] =	vst.msk vm1, v7;
	s1 =	simm.s32 @!p1 $0x3F0  }
.LBB2_8:
0xef: {  	s11 =	sadd.s32 $0xF, s1  }
0xf0: {  	s11 =	sshra.s32 s11, $0x4  }
0xf1: {  	[tilespmem:$0x3980] =	vst v0;
	p1 =	sgt.s32 s11, $0x0  }
.Ltmp10:
0xf2: {  	[tilespmem:$0x3990] =	vst v0;
	(pc) =	sbr.rel @!p1 .LBB2_21-.Ltmp10, $4  }
0xf3: {  	[tilespmem:$0x39A0] =	vst v0  }
0xf4: {  	[tilespmem:$0x39B0] =	vst v0  }
0xf5: {  	[tilespmem:$0x39C0] =	vst v0  }
0xf6: {  	[tilespmem:$0x39D0] =	vst v0  }
.Ltmp11:
0xf7: {  	(pc) =	sbr.rel .LBB2_10-.Ltmp11, $2  }
0xf8: {  	_ =	sdelay $0x2  }
0xf9: {  	v6 =	vmov s1;
	s17 =	simm.s32 $0x0;
	p1 =	slt.s32 s1, $0x1;
	s18 =	simm.s32 $0x0  }
.LBB2_12:
0xfa: {  	v11 =	vimm.s32 $0x0  }
.LBB2_19:
0xfb: {  	_ =	sdelay $0x3  }
0xfc: {  	v12 =	vld.idx.msk [tilespmem:v10+s13+$0x0], $0xffff  }
0xfd: {  	v10 =	vld.idx.msk [tilespmem:v10+s14+$0x0], $0xffff;
	_ =	sdelay $0x1  }
0xfe: {  	vm2 =	veq.f32 @p2 v14, v9;
	vm3 =	vlt.s32 @p2 v13, v7;
	v13 =	vsel @p3 vm1, $0x1, v0  }
0xff: {  	vm2 =	vmand @p2 vm2, vm3;
	vm3 =	vgt.f32 @p2 v14, v9;
	v11 =	vadd.s32 @p3 v13, v11  }
0x100: {  	vm1 =	vmor @p2 vm3, vm2;
	v11 =	vpsel p3, v11, v8  }
0x101: {  	vm1 =	vmmov @p2 vm1;
	vm2 =	veq.f32 v12, v9;
	vm3 =	vlt.s32 v10, v7  }
0x102: {  	v10 =	vsel @p2 vm1, $0x1, v0;
	vm1 =	vgt.f32 v12, v9;
	vm2 =	vmand vm2, vm3  }
0x103: {  	v9 =	vadd.s32 @p2 v10, v11;
	vm1 =	vmor vm1, vm2  }
0x104: {  	v8 =	vpsel p2, v9, v8;
	v9 =	vsel vm1, $0x1, v0  }
0x105: {  	v8 =	vadd.s32 v9, v8  }
.LBB2_20:
0x106: {  	v9 =	vor.u32 s19, v1  }
0x107: {  	vm2 =	vlt.s32 v8, $0x50;
	vm1 =	vlt.s32 v9, v6  }
0x108: {  	s18 =	sadd.s32 $0x1, s18;
	vm1 =	vmand vm1, vm2  }
0x109: {  	p2 =	sne.s32 s18, s11;
	v8 =	vsel vm1, v8, v2  }
.Ltmp12:
0x10a: {  	_ = 	snop;
	(pc) =	sbr.rel @!p2 .LBB2_21-.Ltmp12, $3  }
0x10b: {  	_ =	sdelay $0x1  }
0x10c: {  	v7 =	vnsel vm1, $0x0, v7  }
0x10d: {  	[tilespmem:v8+s15+$0x0] =	vst.idx.msk $0xffff, v7  }
.LBB2_10:
.Ltmp13:
0x10e: {  	(pc) =	sbr.rel @p1 .LBB2_20-.Ltmp13, $3  }
0x10f: {  	_ =	sdelay $0x1  }
0x110: {  	s19 =	sshll.u32 s18, $0x4  }
0x111: {  	v8 =	vimm.s32 $0x0;
	v7 =	vld [tilespmem:s19+$0x3580]  }
0x112: {  	p4 =	sne.s32 s1, $0x1  }
.Ltmp14:
0x113: {  	_ = 	snop;
	(pc) =	sbr.rel @!p4 .LBB2_12-.Ltmp14, $3  }
0x114: {  	_ =	sdelay $0x1  }
0x115: {  	v9 =	vld [tilespmem:s19+$0x3180]  }
0x116: {  	s20 =	simm.s32 $0x1;
	v10 =	vmov s17;
	p2 =	por $0x0, $0x0;
	p3 =	por $0x0, $0x0  }
0x117: {  	p4 =	sne.s32 s1, $0x2  }
.Ltmp15:
0x118: {  	_ = 	snop;
	(pc) =	sbr.rel @!p4 .LBB2_14-.Ltmp15, $3  }
0x119: {  	_ =	sdelay $0x1  }
0x11a: {  	v14 =	vld.idx.msk [tilespmem:v10+s13+$0x0], $0xffff  }
0x11b: {  	s21 =	simm.s32 $0x2;
	v15 =	vmov s20;
	v13 =	vld.idx.msk [tilespmem:v10+s14+$0x0], $0xffff;
	p2 =	por $0x1, $0x1  }
0x11c: {  	_ = 	snop  }
0x11d: {  	p4 =	sne.s32 s1, $0x3  }
.Ltmp16:
0x11e: {  	_ = 	snop;
	(pc) =	sbr.rel @!p4 .LBB2_16-.Ltmp16, $4  }
0x11f: {  	_ = 	snop  }
0x120: {  	vm1 =	veq.f32 v14, v9;
	vm2 =	vlt.s32 v13, v7  }
0x121: {  	v12 =	vld.idx.msk [tilespmem:v15+s13+$0x0], $0xffff;
	v10 =	vmov s21;
	vm3 =	vgt.f32 v14, v9;
	vm1 =	vmand vm1, vm2  }
0x122: {  	s20 =	simm.s32 $0x3;
	p3 =	por $0x1, $0x1;
	v11 =	vimm.s32 $0x0;
	v13 =	vld.idx.msk [tilespmem:v15+s14+$0x0], $0xffff;
	vm1 =	vmor vm3, vm1  }
.LBB2_17:
0x123: {  	s21 =	smov.u32 s20;
	s20 =	sadd.s32 $0x1, s20  }
0x124: {  	v15 =	vsel vm1, $0x1, v0;
	p4 =	sne.s32 s1, s20  }
.Ltmp17:
0x125: {  	v11 =	vadd.s32 v15, v11;
	(pc) =	sbr.rel @p4 .LBB2_17-.Ltmp17, $4  }
0x126: {  	vm1 =	veq.f32 v12, v9;
	v14 =	vmov v12;
	v12 =	vld.idx.msk [tilespmem:v10+s13+$0x0], $0xffff  }
0x127: {  	vm2 =	vgt.f32 v14, v9;
	vm3 =	vlt.s32 v13, v7;
	v13 =	vld.idx.msk [tilespmem:v10+s14+$0x0], $0xffff;
	v10 =	vmov s21  }
0x128: {  	vm1 =	vmand vm1, vm3  }
0x129: {  	vm1 =	vmor vm2, vm1  }
.Ltmp18:
0x12a: {  	(pc) =	sbr.rel .LBB2_19-.Ltmp18, $2  }
0x12b: {  	_ =	sdelay $0x2  }
0x12c: {  	v14 =	vmov v12  }
.LBB2_14:
.Ltmp19:
0x12d: {  	(pc) =	sbr.rel .LBB2_19-.Ltmp19, $2  }
0x12e: {  	_ =	sdelay $0x2  }
0x12f: {  	v11 =	vimm.s32 $0x0;
	v10 =	vmov v15  }
.LBB2_16:
.Ltmp20:
0x130: {  	(pc) =	sbr.rel .LBB2_19-.Ltmp20, $2  }
0x131: {  	_ =	sdelay $0x2  }
0x132: {  	v11 =	vimm.s32 $0x0;
	v14 =	vmov v12  }
.LBB2_23:
0x133: {  	_ =	sfence.sel $0x180000  }
0x134: {  	[bflag:$0x0] =	sbarrier.arrive $0xFFFF  }
0x135: {  	_ =	strace $0x90000047  }
0x136: {  	s0 =	stileid.u32;
	[bflag:$0x2] =	sbarrier.arrive $0xFFFF  }
0x137: {  	p0 =	sne.s32 s0, $0x0;
	s0 =	rddreg [dreg:$0x3]  }
0x138: {  	s0 =	sadd.s32 @!p0 $0x100000, s0  }
0x139: {  	[sflag:s0] =	ssyncadd.tile.s32 @!p0 $0x1;
	_ =	shalt  }
.Lfunc_end2:
_tile_overlayer_lowered:
.L_overlay_start_2:
0x13a: {  	(tag) =	ssettag $0x2  }
0x13b: {  	s0 =	rddreg [dreg:$0x0];
	s2 =	stileid.u32  }
0x13c: {  	s1 =	rddreg [dreg:$0x1];
	p0 =	sne.s32 s2, $0x0  }
0x13d: {  	s3 =	rddreg [dreg:$0x2];
	[bflag:$0x3] =	sbarrier.arrive $0xFFFF;
	s2 =	simm.s32 @!p0 $0x1C02  }
0x13e: {  	[timem:s3], [sflag:s2] =	dma.local @!p0 [hbm:s0], s1  }
0x13f: {  	s0 =	simm.s32 @!p0 $0x2  }
0x140: {  	_ =	swait.ge @!p0 [sflag:s0], s1  }
0x141: {  	s1 =	ssub.s32 @!p0 $0x0, s1;
	[sflag:s0] =	ssyncset.done @!p0 $0x0  }
0x142: {  	[sflag:s0] =	ssyncadd.s32 @!p0 s1  }
0x143: {  	[bflag:$0x3] =	sbarrier.arrive $0xFFFF  }
0x144: {  	_ =	shalt  }

</sc_bundles>
